<compile_context>
chip_gen: v7x
topology: tpu7x:2x2x1
jax: 0.10.2.dev20260603
libtpu: 0.0.44.dev20260713+nightly
codegen_flags: <defaults>
</compile_context>

<pallas_src>
import functools

import jax
import jax.numpy as jnp
from jax import lax
from jax.experimental import pallas as pl
from jax.experimental.pallas import tpu as pltpu
from jax.experimental.pallas import tpu_sc as plsc

N = 10000
E = 320000
D = 128
NC = 2
NS = 16
NW = NC * NS
EPW = E // NW
CH = 40
NCH = EPW // CH
RPT = 624
RPT_LAST = N - 15 * RPT


NB = 9
LI = 7
LG = 5


def _sc_agg_body(x_hbm, e_hbm, z_hbm, out0_hbm, out1_hbm, *scr):
    src_c = scr[0:NB]
    dst_c = scr[NB:2 * NB]
    rows = scr[2 * NB:3 * NB]
    acc = scr[3 * NB]
    isems = scr[3 * NB + 1:3 * NB + 1 + NB]
    gsems = scr[3 * NB + 1 + NB:3 * NB + 1 + 2 * NB]
    ssems = scr[3 * NB + 1 + 2 * NB:3 * NB + 1 + 3 * NB]
    c = lax.axis_index("c")
    s = lax.axis_index("s")
    wid = s * NC + c
    ebase = wid * EPW

    zsem = scr[3 * NB + 1 + 3 * NB]

    @pl.when(s < 15)
    def _():
        pltpu.async_copy(z_hbm.at[pl.ds(0, RPT)],
                         acc.at[pl.ds(s * RPT, RPT)], zsem)

    @pl.when(s == 15)
    def _():
        pltpu.async_copy(z_hbm, acc.at[pl.ds(15 * RPT, RPT_LAST)], zsem)

    def fire_idx(b, k):
        pltpu.async_copy(e_hbm.at[pl.ds(ebase + k * CH, CH)],
                         src_c[b], isems[b])
        pltpu.async_copy(e_hbm.at[pl.ds(E + ebase + k * CH, CH)],
                         dst_c[b], isems[b])

    def wait_idx(b, k):
        pltpu.make_async_copy(e_hbm.at[pl.ds(ebase + k * CH, CH)],
                              src_c[b], isems[b]).wait()
        pltpu.make_async_copy(e_hbm.at[pl.ds(E + ebase + k * CH, CH)],
                              dst_c[b], isems[b]).wait()

    def fire_gather(b):
        pltpu.async_copy(x_hbm.at[src_c[b]], rows[b], gsems[b])

    def wait_gather(b):
        pltpu.make_async_copy(x_hbm.at[src_c[b]], rows[b], gsems[b]).wait()

    def fire_scatter(b):
        pltpu.async_copy(rows[b], acc.at[dst_c[b]], ssems[b], add=True)

    def wait_scatter(b):
        pltpu.make_async_copy(rows[b], acc.at[dst_c[b]], ssems[b]).wait()

    for k in range(LI):
        fire_idx(k % NB, k)
    for k in range(LG):
        wait_idx(k % NB, k)
        fire_gather(k % NB)

    @pl.when(s < 15)
    def _():
        pltpu.make_async_copy(z_hbm.at[pl.ds(0, RPT)],
                              acc.at[pl.ds(s * RPT, RPT)], zsem).wait()

    @pl.when(s == 15)
    def _():
        pltpu.make_async_copy(z_hbm, acc.at[pl.ds(15 * RPT, RPT_LAST)],
                              zsem).wait()

    plsc.subcore_barrier()

    @pl.loop(0, ((NCH + NB - 1) // NB) * NB, step=NB)
    def _grp(i):
        for b in range(NB):
            j = i + b

            @pl.when(j < NCH)
            def _():
                @pl.when(j >= NB - LI)
                def _():
                    wait_scatter((b + LI) % NB)

                @pl.when(j + LI < NCH)
                def _():
                    fire_idx((b + LI) % NB, j + LI)

                @pl.when(j + LG < NCH)
                def _():
                    wait_idx((b + LG) % NB, j + LG)
                    fire_gather((b + LG) % NB)

                wait_gather(b)
                fire_scatter(b)

    for jj in range(NCH - (NB - LI), NCH):
        wait_scatter(jj % NB)

    plsc.subcore_barrier()

    @pl.when(jnp.logical_and(s < 15, c == 0))
    def _():
        pltpu.sync_copy(acc.at[pl.ds(s * RPT, RPT)],
                        out0_hbm.at[pl.ds(s * RPT, RPT)])

    @pl.when(jnp.logical_and(s == 15, c == 0))
    def _():
        pltpu.sync_copy(acc.at[pl.ds(15 * RPT, RPT_LAST)],
                        out0_hbm.at[pl.ds(15 * RPT, RPT_LAST)])

    @pl.when(jnp.logical_and(s < 15, c == 1))
    def _():
        pltpu.sync_copy(acc.at[pl.ds(s * RPT, RPT)],
                        out1_hbm.at[pl.ds(s * RPT, RPT)])

    @pl.when(jnp.logical_and(s == 15, c == 1))
    def _():
        pltpu.sync_copy(acc.at[pl.ds(15 * RPT, RPT_LAST)],
                        out1_hbm.at[pl.ds(15 * RPT, RPT_LAST)])


_sc_agg = functools.partial(
    pl.kernel,
    out_type=(jax.ShapeDtypeStruct((N, D), jnp.float32),
              jax.ShapeDtypeStruct((N, D), jnp.float32)),
    mesh=plsc.VectorSubcoreMesh(core_axis_name="c", subcore_axis_name="s",
                                num_cores=NC, num_subcores=NS),
    scratch_types=(
        [pltpu.VMEM((CH,), jnp.int32)] * (2 * NB)
        + [pltpu.VMEM((CH, D), jnp.float32)] * NB
        + [pltpu.VMEM_SHARED((N, D), jnp.float32)]
        + [pltpu.SemaphoreType.DMA] * (3 * NB + 1)
    ),
)(_sc_agg_body)


def _mlp_body(scale_ref, x_ref, p0_ref, p1_ref, w1_ref, b1_ref, w2_ref,
              b2_ref, o_ref):
    z = scale_ref[0, 0] * x_ref[...] + p0_ref[...] + p1_ref[...]
    h = lax.dot_general(z, w1_ref[...], (((1,), (1,)), ((), ())),
                        preferred_element_type=jnp.float32)
    h = jnp.maximum(h + b1_ref[...], 0.0)
    o = lax.dot_general(h, w2_ref[...], (((1,), (1,)), ((), ())),
                        preferred_element_type=jnp.float32)
    o_ref[...] = o + b2_ref[...]


BM = 2000

_mlp = pl.pallas_call(
    _mlp_body,
    grid=(N // BM,),
    compiler_params=pltpu.CompilerParams(
        dimension_semantics=("parallel",)),
    in_specs=[
        pl.BlockSpec(memory_space=pltpu.SMEM),
        pl.BlockSpec((BM, D), lambda i: (i, 0)),
        pl.BlockSpec((BM, D), lambda i: (i, 0)),
        pl.BlockSpec((BM, D), lambda i: (i, 0)),
        pl.BlockSpec((D, D), lambda i: (0, 0)),
        pl.BlockSpec((1, D), lambda i: (0, 0)),
        pl.BlockSpec((D, D), lambda i: (0, 0)),
        pl.BlockSpec((1, D), lambda i: (0, 0)),
    ],
    out_specs=pl.BlockSpec((BM, D), lambda i: (i, 0)),
    out_shape=jax.ShapeDtypeStruct((N, D), jnp.float32),
)


@jax.jit
def kernel(x, edge_index, W1, b1, W2, b2, eps):
    eflat = edge_index.astype(jnp.int32).reshape(2 * E)
    zblk = jnp.zeros((RPT_LAST, D), jnp.float32)
    p0, p1 = _sc_agg(x, eflat, zblk)
    scale = (1.0 + eps).reshape(1, 1)
    return _mlp(scale, x, p0, p1, W1, b1.reshape(1, D),
                W2, b2.reshape(1, D))

# --- scband reference (transcript-rebuilt; emitter-appended) ---
"""Pipeline reference for scband-ginconv-21912923144580 (READ-ONLY COPY).

The authoritative reference and input builder live on the scoring server;
editing this copy changes nothing except your own understanding.
"""

import jax, jax.numpy as jnp
import numpy as np

N = 10000
E = 320000
D_IN = 128
D_OUT = 128

def setup_inputs(seed: int = 0) -> dict:
    key = jax.random.key(seed)
    k1, k2, k3, k4, k5 = jax.random.split(key, 5)
    x = jax.random.normal(k1, (N, D_IN), dtype=jnp.float32)
    edge_index = jax.random.randint(k2, (2, E), 0, N, dtype=jnp.int64)
    # Xavier-uniform init for the two linear layers (weights stored [out, in] like torch)
    limit1 = float(np.sqrt(6.0 / (D_IN + D_OUT)))
    W1 = jax.random.uniform(k3, (D_OUT, D_IN), minval=-limit1, maxval=limit1, dtype=jnp.float32)
    b1 = jnp.zeros((D_OUT,), dtype=jnp.float32)
    limit2 = float(np.sqrt(6.0 / (D_OUT + D_OUT)))
    W2 = jax.random.uniform(k4, (D_OUT, D_OUT), minval=-limit2, maxval=limit2, dtype=jnp.float32)
    b2 = jnp.zeros((D_OUT,), dtype=jnp.float32)
    eps = jnp.zeros((1,), dtype=jnp.float32)
    return {"x": x, "edge_index": edge_index, "W1": W1, "b1": b1, "W2": W2, "b2": b2, "eps": eps}

def reference(x, edge_index, W1, b1, W2, b2, eps):
    src = edge_index[0]
    dst = edge_index[1]
    # adj_t.matmul(x): sum-aggregate neighbor features into destination nodes
    agg = jnp.zeros_like(x).at[dst].add(x[src])
    out = (1.0 + eps) * x + agg
    h = out @ W1.T + b1
    h = jnp.maximum(h, 0.0)
    out = h @ W2.T + b2
    return out

if __name__ == "__main__":
    import jax
    _d = setup_inputs()
    print(jax.jit(kernel)(*tuple(_d.values())))

</pallas_src>

<mosaic_0001>
#map = affine_map<(d0, d1) -> (0, 0)>
#map1 = affine_map<(d0, d1) -> (0)>
module attributes {stable_mosaic.version = 14 : i64} {
  func.func @_sc_agg_body(%arg0: i32, %arg1: i32, %arg2: memref<10000x128xf32, #tpu.memory_space<hbm>>, %arg3: memref<640000xi32, #tpu.memory_space<hbm>>, %arg4: memref<640x128xf32, #tpu.memory_space<hbm>>, %arg5: memref<10000x128xf32, #tpu.memory_space<hbm>>, %arg6: memref<10000x128xf32, #tpu.memory_space<hbm>>, %arg7: memref<40xi32, #tpu.memory_space<vmem>>, %arg8: memref<40xi32, #tpu.memory_space<vmem>>, %arg9: memref<40xi32, #tpu.memory_space<vmem>>, %arg10: memref<40xi32, #tpu.memory_space<vmem>>, %arg11: memref<40xi32, #tpu.memory_space<vmem>>, %arg12: memref<40xi32, #tpu.memory_space<vmem>>, %arg13: memref<40xi32, #tpu.memory_space<vmem>>, %arg14: memref<40xi32, #tpu.memory_space<vmem>>, %arg15: memref<40xi32, #tpu.memory_space<vmem>>, %arg16: memref<40xi32, #tpu.memory_space<vmem>>, %arg17: memref<40xi32, #tpu.memory_space<vmem>>, %arg18: memref<40xi32, #tpu.memory_space<vmem>>, %arg19: memref<40xi32, #tpu.memory_space<vmem>>, %arg20: memref<40xi32, #tpu.memory_space<vmem>>, %arg21: memref<40xi32, #tpu.memory_space<vmem>>, %arg22: memref<40xi32, #tpu.memory_space<vmem>>, %arg23: memref<40xi32, #tpu.memory_space<vmem>>, %arg24: memref<40xi32, #tpu.memory_space<vmem>>, %arg25: memref<40x128xf32, #tpu.memory_space<vmem>>, %arg26: memref<40x128xf32, #tpu.memory_space<vmem>>, %arg27: memref<40x128xf32, #tpu.memory_space<vmem>>, %arg28: memref<40x128xf32, #tpu.memory_space<vmem>>, %arg29: memref<40x128xf32, #tpu.memory_space<vmem>>, %arg30: memref<40x128xf32, #tpu.memory_space<vmem>>, %arg31: memref<40x128xf32, #tpu.memory_space<vmem>>, %arg32: memref<40x128xf32, #tpu.memory_space<vmem>>, %arg33: memref<40x128xf32, #tpu.memory_space<vmem>>, %arg34: memref<10000x128xf32, #tpu.memory_space<vmem_shared>>, %arg35: memref<!tpu.dma_semaphore, #tpu.memory_space<semaphore_mem>>, %arg36: memref<!tpu.dma_semaphore, #tpu.memory_space<semaphore_mem>>, %arg37: memref<!tpu.dma_semaphore, #tpu.memory_space<semaphore_mem>>, %arg38: memref<!tpu.dma_semaphore, #tpu.memory_space<semaphore_mem>>, %arg39: memref<!tpu.dma_semaphore, #tpu.memory_space<semaphore_mem>>, %arg40: memref<!tpu.dma_semaphore, #tpu.memory_space<semaphore_mem>>, %arg41: memref<!tpu.dma_semaphore, #tpu.memory_space<semaphore_mem>>, %arg42: memref<!tpu.dma_semaphore, #tpu.memory_space<semaphore_mem>>, %arg43: memref<!tpu.dma_semaphore, #tpu.memory_space<semaphore_mem>>, %arg44: memref<!tpu.dma_semaphore, #tpu.memory_space<semaphore_mem>>, %arg45: memref<!tpu.dma_semaphore, #tpu.memory_space<semaphore_mem>>, %arg46: memref<!tpu.dma_semaphore, #tpu.memory_space<semaphore_mem>>, %arg47: memref<!tpu.dma_semaphore, #tpu.memory_space<semaphore_mem>>, %arg48: memref<!tpu.dma_semaphore, #tpu.memory_space<semaphore_mem>>, %arg49: memref<!tpu.dma_semaphore, #tpu.memory_space<semaphore_mem>>, %arg50: memref<!tpu.dma_semaphore, #tpu.memory_space<semaphore_mem>>, %arg51: memref<!tpu.dma_semaphore, #tpu.memory_space<semaphore_mem>>, %arg52: memref<!tpu.dma_semaphore, #tpu.memory_space<semaphore_mem>>, %arg53: memref<!tpu.dma_semaphore, #tpu.memory_space<semaphore_mem>>, %arg54: memref<!tpu.dma_semaphore, #tpu.memory_space<semaphore_mem>>, %arg55: memref<!tpu.dma_semaphore, #tpu.memory_space<semaphore_mem>>, %arg56: memref<!tpu.dma_semaphore, #tpu.memory_space<semaphore_mem>>, %arg57: memref<!tpu.dma_semaphore, #tpu.memory_space<semaphore_mem>>, %arg58: memref<!tpu.dma_semaphore, #tpu.memory_space<semaphore_mem>>, %arg59: memref<!tpu.dma_semaphore, #tpu.memory_space<semaphore_mem>>, %arg60: memref<!tpu.dma_semaphore, #tpu.memory_space<semaphore_mem>>, %arg61: memref<!tpu.dma_semaphore, #tpu.memory_space<semaphore_mem>>, %arg62: memref<!tpu.dma_semaphore, #tpu.memory_space<semaphore_mem>>) attributes {dimension_semantics = [#tpu.dimension_semantics<core_parallel>, #tpu.dimension_semantics<subcore_parallel>], iteration_bounds = array<i64: 2, 16>, scalar_prefetch = 0 : i64, scratch_operands = 56 : i64, tpu.core_type = #tpu.core_type<sc_vector_subcore>, window_params = [{transform_indices = #map}, {transform_indices = #map1}, {transform_indices = #map}, {transform_indices = #map}, {transform_indices = #map}]} {
    %mul3A = arith.constant 2 : i32
    %mul3A_0 = arith.muli %arg1, %mul3A : i32
    %add3A = arith.addi %mul3A_0, %arg0 : i32
    %mul3A_1 = arith.constant 10000 : i32
    %mul3A_2 = arith.muli %add3A, %mul3A_1 : i32
    %lt3A = arith.constant 15 : i32
    %lt3A_3 = arith.cmpi slt, %arg1, %lt3A : i32
    %convert_element_type3A = arith.extui %lt3A_3 : i1 to i32
    %cond3A = arith.constant 0 : i32
    %cond3A_4 = arith.cmpi ne, %convert_element_type3A, %cond3A : i32
    scf.if %cond3A_4 {
      %mul3A_194 = arith.constant 624 : i32
      %mul3A_195 = arith.muli %arg1, %mul3A_194 : i32
      %dma_start3A_196 = arith.constant 0 : i32
      %dma_start3A_197 = tpu.memref_slice %arg34[%mul3A_195, %dma_start3A_196] : memref<10000x128xf32, #tpu.memory_space<vmem_shared>> -> memref<624x128xf32, #tpu.memory_space<vmem_shared>>
      %dma_start3A_198 = arith.constant 0 : i32
      %dma_start3A_199 = arith.constant 0 : i32
      %dma_start3A_200 = tpu.memref_slice %arg4[%dma_start3A_198, %dma_start3A_199] : memref<640x128xf32, #tpu.memory_space<hbm>> -> memref<624x128xf32, #tpu.memory_space<hbm>>
      tpu.enqueue_dma source(%dma_start3A_200 : memref<624x128xf32, #tpu.memory_space<hbm>>) target(%dma_start3A_197 : memref<624x128xf32, #tpu.memory_space<vmem_shared>>) target_semaphore(%arg62 : memref<!tpu.dma_semaphore, #tpu.memory_space<semaphore_mem>>)
    } else {
    }
    %eq3A = arith.constant 15 : i32
    %eq3A_5 = arith.cmpi eq, %arg1, %eq3A : i32
    %convert_element_type3A_6 = arith.extui %eq3A_5 : i1 to i32
    %cond3A_7 = arith.constant 0 : i32
    %cond3A_8 = arith.cmpi ne, %convert_element_type3A_6, %cond3A_7 : i32
    scf.if %cond3A_8 {
      %dma_start3A_194 = arith.constant 9360 : i32
      %dma_start3A_195 = arith.constant 0 : i32
      %dma_start3A_196 = tpu.memref_slice %arg34[%dma_start3A_194, %dma_start3A_195] : memref<10000x128xf32, #tpu.memory_space<vmem_shared>> -> memref<640x128xf32, #tpu.memory_space<vmem_shared>>
      tpu.enqueue_dma source(%arg4 : memref<640x128xf32, #tpu.memory_space<hbm>>) target(%dma_start3A_196 : memref<640x128xf32, #tpu.memory_space<vmem_shared>>) target_semaphore(%arg62 : memref<!tpu.dma_semaphore, #tpu.memory_space<semaphore_mem>>)
    } else {
    }
    %add3A_9 = arith.constant 0 : i32
    %add3A_10 = arith.addi %mul3A_2, %add3A_9 : i32
    %dma_start3A = tpu.memref_slice %arg3[%add3A_10] : memref<640000xi32, #tpu.memory_space<hbm>> -> memref<40xi32, #tpu.memory_space<hbm>>
    %dma_start3A_11 = tpu.memref_slice %arg3[%add3A_10] : memref<640000xi32, #tpu.memory_space<hbm>> -> memref<40xi32, #tpu.memory_space<hbm>>
    tpu.enqueue_dma source(%dma_start3A_11 : memref<40xi32, #tpu.memory_space<hbm>>) target(%arg7 : memref<40xi32, #tpu.memory_space<vmem>>) target_semaphore(%arg35 : memref<!tpu.dma_semaphore, #tpu.memory_space<semaphore_mem>>)
    %add3A_12 = arith.constant 320000 : i32
    %add3A_13 = arith.addi %add3A_12, %mul3A_2 : i32
    %add3A_14 = arith.constant 0 : i32
    %add3A_15 = arith.addi %add3A_13, %add3A_14 : i32
    %dma_start3A_16 = tpu.memref_slice %arg3[%add3A_15] : memref<640000xi32, #tpu.memory_space<hbm>> -> memref<40xi32, #tpu.memory_space<hbm>>
    %dma_start3A_17 = tpu.memref_slice %arg3[%add3A_15] : memref<640000xi32, #tpu.memory_space<hbm>> -> memref<40xi32, #tpu.memory_space<hbm>>
    tpu.enqueue_dma source(%dma_start3A_17 : memref<40xi32, #tpu.memory_space<hbm>>) target(%arg16 : memref<40xi32, #tpu.memory_space<vmem>>) target_semaphore(%arg35 : memref<!tpu.dma_semaphore, #tpu.memory_space<semaphore_mem>>)
    %add3A_18 = arith.constant 40 : i32
    %add3A_19 = arith.addi %mul3A_2, %add3A_18 : i32
    %dma_start3A_20 = tpu.memref_slice %arg3[%add3A_19] : memref<640000xi32, #tpu.memory_space<hbm>> -> memref<40xi32, #tpu.memory_space<hbm>>
    %dma_start3A_21 = tpu.memref_slice %arg3[%add3A_19] : memref<640000xi32, #tpu.memory_space<hbm>> -> memref<40xi32, #tpu.memory_space<hbm>>
    tpu.enqueue_dma source(%dma_start3A_21 : memref<40xi32, #tpu.memory_space<hbm>>) target(%arg8 : memref<40xi32, #tpu.memory_space<vmem>>) target_semaphore(%arg36 : memref<!tpu.dma_semaphore, #tpu.memory_space<semaphore_mem>>)
    %add3A_22 = arith.constant 320000 : i32
    %add3A_23 = arith.addi %add3A_22, %mul3A_2 : i32
    %add3A_24 = arith.constant 40 : i32
    %add3A_25 = arith.addi %add3A_23, %add3A_24 : i32
    %dma_start3A_26 = tpu.memref_slice %arg3[%add3A_25] : memref<640000xi32, #tpu.memory_space<hbm>> -> memref<40xi32, #tpu.memory_space<hbm>>
    %dma_start3A_27 = tpu.memref_slice %arg3[%add3A_25] : memref<640000xi32, #tpu.memory_space<hbm>> -> memref<40xi32, #tpu.memory_space<hbm>>
    tpu.enqueue_dma source(%dma_start3A_27 : memref<40xi32, #tpu.memory_space<hbm>>) target(%arg17 : memref<40xi32, #tpu.memory_space<vmem>>) target_semaphore(%arg36 : memref<!tpu.dma_semaphore, #tpu.memory_space<semaphore_mem>>)
    %add3A_28 = arith.constant 80 : i32
    %add3A_29 = arith.addi %mul3A_2, %add3A_28 : i32
    %dma_start3A_30 = tpu.memref_slice %arg3[%add3A_29] : memref<640000xi32, #tpu.memory_space<hbm>> -> memref<40xi32, #tpu.memory_space<hbm>>
    %dma_start3A_31 = tpu.memref_slice %arg3[%add3A_29] : memref<640000xi32, #tpu.memory_space<hbm>> -> memref<40xi32, #tpu.memory_space<hbm>>
    tpu.enqueue_dma source(%dma_start3A_31 : memref<40xi32, #tpu.memory_space<hbm>>) target(%arg9 : memref<40xi32, #tpu.memory_space<vmem>>) target_semaphore(%arg37 : memref<!tpu.dma_semaphore, #tpu.memory_space<semaphore_mem>>)
    %add3A_32 = arith.constant 320000 : i32
    %add3A_33 = arith.addi %add3A_32, %mul3A_2 : i32
    %add3A_34 = arith.constant 80 : i32
    %add3A_35 = arith.addi %add3A_33, %add3A_34 : i32
    %dma_start3A_36 = tpu.memref_slice %arg3[%add3A_35] : memref<640000xi32, #tpu.memory_space<hbm>> -> memref<40xi32, #tpu.memory_space<hbm>>
    %dma_start3A_37 = tpu.memref_slice %arg3[%add3A_35] : memref<640000xi32, #tpu.memory_space<hbm>> -> memref<40xi32, #tpu.memory_space<hbm>>
    tpu.enqueue_dma source(%dma_start3A_37 : memref<40xi32, #tpu.memory_space<hbm>>) target(%arg18 : memref<40xi32, #tpu.memory_space<vmem>>) target_semaphore(%arg37 : memref<!tpu.dma_semaphore, #tpu.memory_space<semaphore_mem>>)
    %add3A_38 = arith.constant 120 : i32
    %add3A_39 = arith.addi %mul3A_2, %add3A_38 : i32
    %dma_start3A_40 = tpu.memref_slice %arg3[%add3A_39] : memref<640000xi32, #tpu.memory_space<hbm>> -> memref<40xi32, #tpu.memory_space<hbm>>
    %dma_start3A_41 = tpu.memref_slice %arg3[%add3A_39] : memref<640000xi32, #tpu.memory_space<hbm>> -> memref<40xi32, #tpu.memory_space<hbm>>
    tpu.enqueue_dma source(%dma_start3A_41 : memref<40xi32, #tpu.memory_space<hbm>>) target(%arg10 : memref<40xi32, #tpu.memory_space<vmem>>) target_semaphore(%arg38 : memref<!tpu.dma_semaphore, #tpu.memory_space<semaphore_mem>>)
    %add3A_42 = arith.constant 320000 : i32
    %add3A_43 = arith.addi %add3A_42, %mul3A_2 : i32
    %add3A_44 = arith.constant 120 : i32
    %add3A_45 = arith.addi %add3A_43, %add3A_44 : i32
    %dma_start3A_46 = tpu.memref_slice %arg3[%add3A_45] : memref<640000xi32, #tpu.memory_space<hbm>> -> memref<40xi32, #tpu.memory_space<hbm>>
    %dma_start3A_47 = tpu.memref_slice %arg3[%add3A_45] : memref<640000xi32, #tpu.memory_space<hbm>> -> memref<40xi32, #tpu.memory_space<hbm>>
    tpu.enqueue_dma source(%dma_start3A_47 : memref<40xi32, #tpu.memory_space<hbm>>) target(%arg19 : memref<40xi32, #tpu.memory_space<vmem>>) target_semaphore(%arg38 : memref<!tpu.dma_semaphore, #tpu.memory_space<semaphore_mem>>)
    %add3A_48 = arith.constant 160 : i32
    %add3A_49 = arith.addi %mul3A_2, %add3A_48 : i32
    %dma_start3A_50 = tpu.memref_slice %arg3[%add3A_49] : memref<640000xi32, #tpu.memory_space<hbm>> -> memref<40xi32, #tpu.memory_space<hbm>>
    %dma_start3A_51 = tpu.memref_slice %arg3[%add3A_49] : memref<640000xi32, #tpu.memory_space<hbm>> -> memref<40xi32, #tpu.memory_space<hbm>>
    tpu.enqueue_dma source(%dma_start3A_51 : memref<40xi32, #tpu.memory_space<hbm>>) target(%arg11 : memref<40xi32, #tpu.memory_space<vmem>>) target_semaphore(%arg39 : memref<!tpu.dma_semaphore, #tpu.memory_space<semaphore_mem>>)
    %add3A_52 = arith.constant 320000 : i32
    %add3A_53 = arith.addi %add3A_52, %mul3A_2 : i32
    %add3A_54 = arith.constant 160 : i32
    %add3A_55 = arith.addi %add3A_53, %add3A_54 : i32
    %dma_start3A_56 = tpu.memref_slice %arg3[%add3A_55] : memref<640000xi32, #tpu.memory_space<hbm>> -> memref<40xi32, #tpu.memory_space<hbm>>
    %dma_start3A_57 = tpu.memref_slice %arg3[%add3A_55] : memref<640000xi32, #tpu.memory_space<hbm>> -> memref<40xi32, #tpu.memory_space<hbm>>
    tpu.enqueue_dma source(%dma_start3A_57 : memref<40xi32, #tpu.memory_space<hbm>>) target(%arg20 : memref<40xi32, #tpu.memory_space<vmem>>) target_semaphore(%arg39 : memref<!tpu.dma_semaphore, #tpu.memory_space<semaphore_mem>>)
    %add3A_58 = arith.constant 200 : i32
    %add3A_59 = arith.addi %mul3A_2, %add3A_58 : i32
    %dma_start3A_60 = tpu.memref_slice %arg3[%add3A_59] : memref<640000xi32, #tpu.memory_space<hbm>> -> memref<40xi32, #tpu.memory_space<hbm>>
    %dma_start3A_61 = tpu.memref_slice %arg3[%add3A_59] : memref<640000xi32, #tpu.memory_space<hbm>> -> memref<40xi32, #tpu.memory_space<hbm>>
    tpu.enqueue_dma source(%dma_start3A_61 : memref<40xi32, #tpu.memory_space<hbm>>) target(%arg12 : memref<40xi32, #tpu.memory_space<vmem>>) target_semaphore(%arg40 : memref<!tpu.dma_semaphore, #tpu.memory_space<semaphore_mem>>)
    %add3A_62 = arith.constant 320000 : i32
    %add3A_63 = arith.addi %add3A_62, %mul3A_2 : i32
    %add3A_64 = arith.constant 200 : i32
    %add3A_65 = arith.addi %add3A_63, %add3A_64 : i32
    %dma_start3A_66 = tpu.memref_slice %arg3[%add3A_65] : memref<640000xi32, #tpu.memory_space<hbm>> -> memref<40xi32, #tpu.memory_space<hbm>>
    %dma_start3A_67 = tpu.memref_slice %arg3[%add3A_65] : memref<640000xi32, #tpu.memory_space<hbm>> -> memref<40xi32, #tpu.memory_space<hbm>>
    tpu.enqueue_dma source(%dma_start3A_67 : memref<40xi32, #tpu.memory_space<hbm>>) target(%arg21 : memref<40xi32, #tpu.memory_space<vmem>>) target_semaphore(%arg40 : memref<!tpu.dma_semaphore, #tpu.memory_space<semaphore_mem>>)
    %add3A_68 = arith.constant 240 : i32
    %add3A_69 = arith.addi %mul3A_2, %add3A_68 : i32
    %dma_start3A_70 = tpu.memref_slice %arg3[%add3A_69] : memref<640000xi32, #tpu.memory_space<hbm>> -> memref<40xi32, #tpu.memory_space<hbm>>
    %dma_start3A_71 = tpu.memref_slice %arg3[%add3A_69] : memref<640000xi32, #tpu.memory_space<hbm>> -> memref<40xi32, #tpu.memory_space<hbm>>
    tpu.enqueue_dma source(%dma_start3A_71 : memref<40xi32, #tpu.memory_space<hbm>>) target(%arg13 : memref<40xi32, #tpu.memory_space<vmem>>) target_semaphore(%arg41 : memref<!tpu.dma_semaphore, #tpu.memory_space<semaphore_mem>>)
    %add3A_72 = arith.constant 320000 : i32
    %add3A_73 = arith.addi %add3A_72, %mul3A_2 : i32
    %add3A_74 = arith.constant 240 : i32
    %add3A_75 = arith.addi %add3A_73, %add3A_74 : i32
    %dma_start3A_76 = tpu.memref_slice %arg3[%add3A_75] : memref<640000xi32, #tpu.memory_space<hbm>> -> memref<40xi32, #tpu.memory_space<hbm>>
    %dma_start3A_77 = tpu.memref_slice %arg3[%add3A_75] : memref<640000xi32, #tpu.memory_space<hbm>> -> memref<40xi32, #tpu.memory_space<hbm>>
    tpu.enqueue_dma source(%dma_start3A_77 : memref<40xi32, #tpu.memory_space<hbm>>) target(%arg22 : memref<40xi32, #tpu.memory_space<vmem>>) target_semaphore(%arg41 : memref<!tpu.dma_semaphore, #tpu.memory_space<semaphore_mem>>)
    %add3A_78 = arith.constant 0 : i32
    %add3A_79 = arith.addi %mul3A_2, %add3A_78 : i32
    %dma_wait3A = tpu.memref_slice %arg3[%add3A_79] : memref<640000xi32, #tpu.memory_space<hbm>> -> memref<40xi32, #tpu.memory_space<hbm>>
    %dma_wait3A_80 = tpu.memref_slice %arg3[%add3A_79] : memref<640000xi32, #tpu.memory_space<hbm>> -> memref<40xi32, #tpu.memory_space<hbm>>
    tpu.wait_dma2 semaphore(%arg35 : memref<!tpu.dma_semaphore, #tpu.memory_space<semaphore_mem>>) src(%dma_wait3A_80 : memref<40xi32, #tpu.memory_space<hbm>>) dst(%arg7 : memref<40xi32, #tpu.memory_space<vmem>>)
    %add3A_81 = arith.constant 320000 : i32
    %add3A_82 = arith.addi %add3A_81, %mul3A_2 : i32
    %add3A_83 = arith.constant 0 : i32
    %add3A_84 = arith.addi %add3A_82, %add3A_83 : i32
    %dma_wait3A_85 = tpu.memref_slice %arg3[%add3A_84] : memref<640000xi32, #tpu.memory_space<hbm>> -> memref<40xi32, #tpu.memory_space<hbm>>
    %dma_wait3A_86 = tpu.memref_slice %arg3[%add3A_84] : memref<640000xi32, #tpu.memory_space<hbm>> -> memref<40xi32, #tpu.memory_space<hbm>>
    tpu.wait_dma2 semaphore(%arg35 : memref<!tpu.dma_semaphore, #tpu.memory_space<semaphore_mem>>) src(%dma_wait3A_86 : memref<40xi32, #tpu.memory_space<hbm>>) dst(%arg16 : memref<40xi32, #tpu.memory_space<vmem>>)
    %dma_start3A_87 = arith.constant 0 : i32
    %dma_start3A_88 = arith.constant 0 : i32
    %dma_start3A_89 = tpu.memref_slice %arg2[%dma_start3A_87, %dma_start3A_88] : memref<10000x128xf32, #tpu.memory_space<hbm>> -> memref<10000x128xf32, #tpu.memory_space<hbm>>
    tpu.enqueue_indirect_dma source(%dma_start3A_89 : memref<10000x128xf32, #tpu.memory_space<hbm>>) target(%arg25 : memref<40x128xf32, #tpu.memory_space<vmem>>) offsets(%arg7 : memref<40xi32, #tpu.memory_space<vmem>>) semaphore(%arg44 : memref<!tpu.dma_semaphore, #tpu.memory_space<semaphore_mem>>)
    %add3A_90 = arith.constant 40 : i32
    %add3A_91 = arith.addi %mul3A_2, %add3A_90 : i32
    %dma_wait3A_92 = tpu.memref_slice %arg3[%add3A_91] : memref<640000xi32, #tpu.memory_space<hbm>> -> memref<40xi32, #tpu.memory_space<hbm>>
    %dma_wait3A_93 = tpu.memref_slice %arg3[%add3A_91] : memref<640000xi32, #tpu.memory_space<hbm>> -> memref<40xi32, #tpu.memory_space<hbm>>
    tpu.wait_dma2 semaphore(%arg36 : memref<!tpu.dma_semaphore, #tpu.memory_space<semaphore_mem>>) src(%dma_wait3A_93 : memref<40xi32, #tpu.memory_space<hbm>>) dst(%arg8 : memref<40xi32, #tpu.memory_space<vmem>>)
    %add3A_94 = arith.constant 320000 : i32
    %add3A_95 = arith.addi %add3A_94, %mul3A_2 : i32
    %add3A_96 = arith.constant 40 : i32
    %add3A_97 = arith.addi %add3A_95, %add3A_96 : i32
    %dma_wait3A_98 = tpu.memref_slice %arg3[%add3A_97] : memref<640000xi32, #tpu.memory_space<hbm>> -> memref<40xi32, #tpu.memory_space<hbm>>
    %dma_wait3A_99 = tpu.memref_slice %arg3[%add3A_97] : memref<640000xi32, #tpu.memory_space<hbm>> -> memref<40xi32, #tpu.memory_space<hbm>>
    tpu.wait_dma2 semaphore(%arg36 : memref<!tpu.dma_semaphore, #tpu.memory_space<semaphore_mem>>) src(%dma_wait3A_99 : memref<40xi32, #tpu.memory_space<hbm>>) dst(%arg17 : memref<40xi32, #tpu.memory_space<vmem>>)
    %dma_start3A_100 = arith.constant 0 : i32
    %dma_start3A_101 = arith.constant 0 : i32
    %dma_start3A_102 = tpu.memref_slice %arg2[%dma_start3A_100, %dma_start3A_101] : memref<10000x128xf32, #tpu.memory_space<hbm>> -> memref<10000x128xf32, #tpu.memory_space<hbm>>
    tpu.enqueue_indirect_dma source(%dma_start3A_102 : memref<10000x128xf32, #tpu.memory_space<hbm>>) target(%arg26 : memref<40x128xf32, #tpu.memory_space<vmem>>) offsets(%arg8 : memref<40xi32, #tpu.memory_space<vmem>>) semaphore(%arg45 : memref<!tpu.dma_semaphore, #tpu.memory_space<semaphore_mem>>)
    %add3A_103 = arith.constant 80 : i32
    %add3A_104 = arith.addi %mul3A_2, %add3A_103 : i32
    %dma_wait3A_105 = tpu.memref_slice %arg3[%add3A_104] : memref<640000xi32, #tpu.memory_space<hbm>> -> memref<40xi32, #tpu.memory_space<hbm>>
    %dma_wait3A_106 = tpu.memref_slice %arg3[%add3A_104] : memref<640000xi32, #tpu.memory_space<hbm>> -> memref<40xi32, #tpu.memory_space<hbm>>
    tpu.wait_dma2 semaphore(%arg37 : memref<!tpu.dma_semaphore, #tpu.memory_space<semaphore_mem>>) src(%dma_wait3A_106 : memref<40xi32, #tpu.memory_space<hbm>>) dst(%arg9 : memref<40xi32, #tpu.memory_space<vmem>>)
    %add3A_107 = arith.constant 320000 : i32
    %add3A_108 = arith.addi %add3A_107, %mul3A_2 : i32
    %add3A_109 = arith.constant 80 : i32
    %add3A_110 = arith.addi %add3A_108, %add3A_109 : i32
    %dma_wait3A_111 = tpu.memref_slice %arg3[%add3A_110] : memref<640000xi32, #tpu.memory_space<hbm>> -> memref<40xi32, #tpu.memory_space<hbm>>
    %dma_wait3A_112 = tpu.memref_slice %arg3[%add3A_110] : memref<640000xi32, #tpu.memory_space<hbm>> -> memref<40xi32, #tpu.memory_space<hbm>>
    tpu.wait_dma2 semaphore(%arg37 : memref<!tpu.dma_semaphore, #tpu.memory_space<semaphore_mem>>) src(%dma_wait3A_112 : memref<40xi32, #tpu.memory_space<hbm>>) dst(%arg18 : memref<40xi32, #tpu.memory_space<vmem>>)
    %dma_start3A_113 = arith.constant 0 : i32
    %dma_start3A_114 = arith.constant 0 : i32
    %dma_start3A_115 = tpu.memref_slice %arg2[%dma_start3A_113, %dma_start3A_114] : memref<10000x128xf32, #tpu.memory_space<hbm>> -> memref<10000x128xf32, #tpu.memory_space<hbm>>
    tpu.enqueue_indirect_dma source(%dma_start3A_115 : memref<10000x128xf32, #tpu.memory_space<hbm>>) target(%arg27 : memref<40x128xf32, #tpu.memory_space<vmem>>) offsets(%arg9 : memref<40xi32, #tpu.memory_space<vmem>>) semaphore(%arg46 : memref<!tpu.dma_semaphore, #tpu.memory_space<semaphore_mem>>)
    %add3A_116 = arith.constant 120 : i32
    %add3A_117 = arith.addi %mul3A_2, %add3A_116 : i32
    %dma_wait3A_118 = tpu.memref_slice %arg3[%add3A_117] : memref<640000xi32, #tpu.memory_space<hbm>> -> memref<40xi32, #tpu.memory_space<hbm>>
    %dma_wait3A_119 = tpu.memref_slice %arg3[%add3A_117] : memref<640000xi32, #tpu.memory_space<hbm>> -> memref<40xi32, #tpu.memory_space<hbm>>
    tpu.wait_dma2 semaphore(%arg38 : memref<!tpu.dma_semaphore, #tpu.memory_space<semaphore_mem>>) src(%dma_wait3A_119 : memref<40xi32, #tpu.memory_space<hbm>>) dst(%arg10 : memref<40xi32, #tpu.memory_space<vmem>>)
    %add3A_120 = arith.constant 320000 : i32
    %add3A_121 = arith.addi %add3A_120, %mul3A_2 : i32
    %add3A_122 = arith.constant 120 : i32
    %add3A_123 = arith.addi %add3A_121, %add3A_122 : i32
    %dma_wait3A_124 = tpu.memref_slice %arg3[%add3A_123] : memref<640000xi32, #tpu.memory_space<hbm>> -> memref<40xi32, #tpu.memory_space<hbm>>
    %dma_wait3A_125 = tpu.memref_slice %arg3[%add3A_123] : memref<640000xi32, #tpu.memory_space<hbm>> -> memref<40xi32, #tpu.memory_space<hbm>>
    tpu.wait_dma2 semaphore(%arg38 : memref<!tpu.dma_semaphore, #tpu.memory_space<semaphore_mem>>) src(%dma_wait3A_125 : memref<40xi32, #tpu.memory_space<hbm>>) dst(%arg19 : memref<40xi32, #tpu.memory_space<vmem>>)
    %dma_start3A_126 = arith.constant 0 : i32
    %dma_start3A_127 = arith.constant 0 : i32
    %dma_start3A_128 = tpu.memref_slice %arg2[%dma_start3A_126, %dma_start3A_127] : memref<10000x128xf32, #tpu.memory_space<hbm>> -> memref<10000x128xf32, #tpu.memory_space<hbm>>
    tpu.enqueue_indirect_dma source(%dma_start3A_128 : memref<10000x128xf32, #tpu.memory_space<hbm>>) target(%arg28 : memref<40x128xf32, #tpu.memory_space<vmem>>) offsets(%arg10 : memref<40xi32, #tpu.memory_space<vmem>>) semaphore(%arg47 : memref<!tpu.dma_semaphore, #tpu.memory_space<semaphore_mem>>)
    %add3A_129 = arith.constant 160 : i32
    %add3A_130 = arith.addi %mul3A_2, %add3A_129 : i32
    %dma_wait3A_131 = tpu.memref_slice %arg3[%add3A_130] : memref<640000xi32, #tpu.memory_space<hbm>> -> memref<40xi32, #tpu.memory_space<hbm>>
    %dma_wait3A_132 = tpu.memref_slice %arg3[%add3A_130] : memref<640000xi32, #tpu.memory_space<hbm>> -> memref<40xi32, #tpu.memory_space<hbm>>
    tpu.wait_dma2 semaphore(%arg39 : memref<!tpu.dma_semaphore, #tpu.memory_space<semaphore_mem>>) src(%dma_wait3A_132 : memref<40xi32, #tpu.memory_space<hbm>>) dst(%arg11 : memref<40xi32, #tpu.memory_space<vmem>>)
    %add3A_133 = arith.constant 320000 : i32
    %add3A_134 = arith.addi %add3A_133, %mul3A_2 : i32
    %add3A_135 = arith.constant 160 : i32
    %add3A_136 = arith.addi %add3A_134, %add3A_135 : i32
    %dma_wait3A_137 = tpu.memref_slice %arg3[%add3A_136] : memref<640000xi32, #tpu.memory_space<hbm>> -> memref<40xi32, #tpu.memory_space<hbm>>
    %dma_wait3A_138 = tpu.memref_slice %arg3[%add3A_136] : memref<640000xi32, #tpu.memory_space<hbm>> -> memref<40xi32, #tpu.memory_space<hbm>>
    tpu.wait_dma2 semaphore(%arg39 : memref<!tpu.dma_semaphore, #tpu.memory_space<semaphore_mem>>) src(%dma_wait3A_138 : memref<40xi32, #tpu.memory_space<hbm>>) dst(%arg20 : memref<40xi32, #tpu.memory_space<vmem>>)
    %dma_start3A_139 = arith.constant 0 : i32
    %dma_start3A_140 = arith.constant 0 : i32
    %dma_start3A_141 = tpu.memref_slice %arg2[%dma_start3A_139, %dma_start3A_140] : memref<10000x128xf32, #tpu.memory_space<hbm>> -> memref<10000x128xf32, #tpu.memory_space<hbm>>
    tpu.enqueue_indirect_dma source(%dma_start3A_141 : memref<10000x128xf32, #tpu.memory_space<hbm>>) target(%arg29 : memref<40x128xf32, #tpu.memory_space<vmem>>) offsets(%arg11 : memref<40xi32, #tpu.memory_space<vmem>>) semaphore(%arg48 : memref<!tpu.dma_semaphore, #tpu.memory_space<semaphore_mem>>)
    %lt3A_142 = arith.constant 15 : i32
    %lt3A_143 = arith.cmpi slt, %arg1, %lt3A_142 : i32
    %convert_element_type3A_144 = arith.extui %lt3A_143 : i1 to i32
    %cond3A_145 = arith.constant 0 : i32
    %cond3A_146 = arith.cmpi ne, %convert_element_type3A_144, %cond3A_145 : i32
    scf.if %cond3A_146 {
      %mul3A_194 = arith.constant 624 : i32
      %mul3A_195 = arith.muli %arg1, %mul3A_194 : i32
      %dma_wait3A_196 = arith.constant 0 : i32
      %dma_wait3A_197 = tpu.memref_slice %arg34[%mul3A_195, %dma_wait3A_196] : memref<10000x128xf32, #tpu.memory_space<vmem_shared>> -> memref<624x128xf32, #tpu.memory_space<vmem_shared>>
      %dma_wait3A_198 = arith.constant 0 : i32
      %dma_wait3A_199 = arith.constant 0 : i32
      %dma_wait3A_200 = tpu.memref_slice %arg4[%dma_wait3A_198, %dma_wait3A_199] : memref<640x128xf32, #tpu.memory_space<hbm>> -> memref<624x128xf32, #tpu.memory_space<hbm>>
      tpu.wait_dma2 semaphore(%arg62 : memref<!tpu.dma_semaphore, #tpu.memory_space<semaphore_mem>>) src(%dma_wait3A_200 : memref<624x128xf32, #tpu.memory_space<hbm>>) dst(%dma_wait3A_197 : memref<624x128xf32, #tpu.memory_space<vmem_shared>>)
    } else {
    }
    %eq3A_147 = arith.constant 15 : i32
    %eq3A_148 = arith.cmpi eq, %arg1, %eq3A_147 : i32
    %convert_element_type3A_149 = arith.extui %eq3A_148 : i1 to i32
    %cond3A_150 = arith.constant 0 : i32
    %cond3A_151 = arith.cmpi ne, %convert_element_type3A_149, %cond3A_150 : i32
    scf.if %cond3A_151 {
      %dma_wait3A_194 = arith.constant 9360 : i32
      %dma_wait3A_195 = arith.constant 0 : i32
      %dma_wait3A_196 = tpu.memref_slice %arg34[%dma_wait3A_194, %dma_wait3A_195] : memref<10000x128xf32, #tpu.memory_space<vmem_shared>> -> memref<640x128xf32, #tpu.memory_space<vmem_shared>>
      tpu.wait_dma2 semaphore(%arg62 : memref<!tpu.dma_semaphore, #tpu.memory_space<semaphore_mem>>) src(%arg4 : memref<640x128xf32, #tpu.memory_space<hbm>>) dst(%dma_wait3A_196 : memref<640x128xf32, #tpu.memory_space<vmem_shared>>)
    } else {
    }
    %barrier3A = arith.constant 0 : index
    tpu.barrier barrier_id(%barrier3A)
    %scan3A = arith.constant 0 : i32
    %scan3A_152 = arith.constant 28 : i32
    %scan3A_153 = arith.addi %scan3A, %scan3A_152 : i32
    %scan3A_154 = arith.constant 1 : i32
    scf.for %scan3A_194 = %scan3A to %scan3A_153 step %scan3A_154  : i32 {
      %mul3A_195 = arith.constant 9 : i32
      %mul3A_196 = arith.muli %scan3A_194, %mul3A_195 : i32
      %add3A_197 = arith.constant 0 : i32
      %add3A_198 = arith.addi %add3A_197, %mul3A_196 : i32
      %add3A_199 = arith.constant 0 : i32
      %add3A_200 = arith.addi %add3A_198, %add3A_199 : i32
      %lt3A_201 = arith.constant 250 : i32
      %lt3A_202 = arith.cmpi slt, %add3A_200, %lt3A_201 : i32
      %convert_element_type3A_203 = arith.extui %lt3A_202 : i1 to i32
      %cond3A_204 = arith.constant 0 : i32
      %cond3A_205 = arith.cmpi ne, %convert_element_type3A_203, %cond3A_204 : i32
      scf.if %cond3A_205 {
        %ge3A = arith.constant 2 : i32
        %ge3A_262 = arith.cmpi sge, %add3A_200, %ge3A : i32
        %convert_element_type3A_263 = arith.extui %ge3A_262 : i1 to i32
        %cond3A_264 = arith.constant 0 : i32
        %cond3A_265 = arith.cmpi ne, %convert_element_type3A_263, %cond3A_264 : i32
        scf.if %cond3A_265 {
          %dma_wait3A_286 = arith.constant 0 : i32
          %dma_wait3A_287 = arith.constant 0 : i32
          %dma_wait3A_288 = tpu.memref_slice %arg34[%dma_wait3A_286, %dma_wait3A_287] : memref<10000x128xf32, #tpu.memory_space<vmem_shared>> -> memref<10000x128xf32, #tpu.memory_space<vmem_shared>>
          tpu.wait_indirect_dma semaphore(%arg60 : memref<!tpu.dma_semaphore, #tpu.memory_space<semaphore_mem>>) src(%arg32 : memref<40x128xf32, #tpu.memory_space<vmem>>) dst(%dma_wait3A_288 : memref<10000x128xf32, #tpu.memory_space<vmem_shared>>)
        } else {
        }
        %add3A_266 = arith.constant 7 : i32
        %add3A_267 = arith.addi %add3A_200, %add3A_266 : i32
        %lt3A_268 = arith.constant 250 : i32
        %lt3A_269 = arith.cmpi slt, %add3A_267, %lt3A_268 : i32
        %convert_element_type3A_270 = arith.extui %lt3A_269 : i1 to i32
        %cond3A_271 = arith.constant 0 : i32
        %cond3A_272 = arith.cmpi ne, %convert_element_type3A_270, %cond3A_271 : i32
        scf.if %cond3A_272 {
          %add3A_286 = arith.constant 7 : i32
          %add3A_287 = arith.addi %add3A_200, %add3A_286 : i32
          %mul3A_288 = arith.constant 40 : i32
          %mul3A_289 = arith.muli %add3A_287, %mul3A_288 : i32
          %add3A_290 = arith.addi %mul3A_2, %mul3A_289 : i32
          %dma_start3A_291 = tpu.memref_slice %arg3[%add3A_290] : memref<640000xi32, #tpu.memory_space<hbm>> -> memref<40xi32, #tpu.memory_space<hbm>>
          %dma_start3A_292 = tpu.memref_slice %arg3[%add3A_290] : memref<640000xi32, #tpu.memory_space<hbm>> -> memref<40xi32, #tpu.memory_space<hbm>>
          tpu.enqueue_dma source(%dma_start3A_292 : memref<40xi32, #tpu.memory_space<hbm>>) target(%arg14 : memref<40xi32, #tpu.memory_space<vmem>>) target_semaphore(%arg42 : memref<!tpu.dma_semaphore, #tpu.memory_space<semaphore_mem>>)
          %add3A_293 = arith.constant 320000 : i32
          %add3A_294 = arith.addi %add3A_293, %mul3A_2 : i32
          %mul3A_295 = arith.constant 40 : i32
          %mul3A_296 = arith.muli %add3A_287, %mul3A_295 : i32
          %add3A_297 = arith.addi %add3A_294, %mul3A_296 : i32
          %dma_start3A_298 = tpu.memref_slice %arg3[%add3A_297] : memref<640000xi32, #tpu.memory_space<hbm>> -> memref<40xi32, #tpu.memory_space<hbm>>
          %dma_start3A_299 = tpu.memref_slice %arg3[%add3A_297] : memref<640000xi32, #tpu.memory_space<hbm>> -> memref<40xi32, #tpu.memory_space<hbm>>
          tpu.enqueue_dma source(%dma_start3A_299 : memref<40xi32, #tpu.memory_space<hbm>>) target(%arg23 : memref<40xi32, #tpu.memory_space<vmem>>) target_semaphore(%arg42 : memref<!tpu.dma_semaphore, #tpu.memory_space<semaphore_mem>>)
        } else {
        }
        %add3A_273 = arith.constant 5 : i32
        %add3A_274 = arith.addi %add3A_200, %add3A_273 : i32
        %lt3A_275 = arith.constant 250 : i32
        %lt3A_276 = arith.cmpi slt, %add3A_274, %lt3A_275 : i32
        %convert_element_type3A_277 = arith.extui %lt3A_276 : i1 to i32
        %cond3A_278 = arith.constant 0 : i32
        %cond3A_279 = arith.cmpi ne, %convert_element_type3A_277, %cond3A_278 : i32
        scf.if %cond3A_279 {
          %add3A_286 = arith.constant 5 : i32
          %add3A_287 = arith.addi %add3A_200, %add3A_286 : i32
          %mul3A_288 = arith.constant 40 : i32
          %mul3A_289 = arith.muli %add3A_287, %mul3A_288 : i32
          %add3A_290 = arith.addi %mul3A_2, %mul3A_289 : i32
          %dma_wait3A_291 = tpu.memref_slice %arg3[%add3A_290] : memref<640000xi32, #tpu.memory_space<hbm>> -> memref<40xi32, #tpu.memory_space<hbm>>
          %dma_wait3A_292 = tpu.memref_slice %arg3[%add3A_290] : memref<640000xi32, #tpu.memory_space<hbm>> -> memref<40xi32, #tpu.memory_space<hbm>>
          tpu.wait_dma2 semaphore(%arg40 : memref<!tpu.dma_semaphore, #tpu.memory_space<semaphore_mem>>) src(%dma_wait3A_292 : memref<40xi32, #tpu.memory_space<hbm>>) dst(%arg12 : memref<40xi32, #tpu.memory_space<vmem>>)
          %add3A_293 = arith.constant 320000 : i32
          %add3A_294 = arith.addi %add3A_293, %mul3A_2 : i32
          %mul3A_295 = arith.constant 40 : i32
          %mul3A_296 = arith.muli %add3A_287, %mul3A_295 : i32
          %add3A_297 = arith.addi %add3A_294, %mul3A_296 : i32
          %dma_wait3A_298 = tpu.memref_slice %arg3[%add3A_297] : memref<640000xi32, #tpu.memory_space<hbm>> -> memref<40xi32, #tpu.memory_space<hbm>>
          %dma_wait3A_299 = tpu.memref_slice %arg3[%add3A_297] : memref<640000xi32, #tpu.memory_space<hbm>> -> memref<40xi32, #tpu.memory_space<hbm>>
          tpu.wait_dma2 semaphore(%arg40 : memref<!tpu.dma_semaphore, #tpu.memory_space<semaphore_mem>>) src(%dma_wait3A_299 : memref<40xi32, #tpu.memory_space<hbm>>) dst(%arg21 : memref<40xi32, #tpu.memory_space<vmem>>)
          %dma_start3A_300 = arith.constant 0 : i32
          %dma_start3A_301 = arith.constant 0 : i32
          %dma_start3A_302 = tpu.memref_slice %arg2[%dma_start3A_300, %dma_start3A_301] : memref<10000x128xf32, #tpu.memory_space<hbm>> -> memref<10000x128xf32, #tpu.memory_space<hbm>>
          tpu.enqueue_indirect_dma source(%dma_start3A_302 : memref<10000x128xf32, #tpu.memory_space<hbm>>) target(%arg30 : memref<40x128xf32, #tpu.memory_space<vmem>>) offsets(%arg12 : memref<40xi32, #tpu.memory_space<vmem>>) semaphore(%arg49 : memref<!tpu.dma_semaphore, #tpu.memory_space<semaphore_mem>>)
        } else {
        }
        %dma_wait3A_280 = arith.constant 0 : i32
        %dma_wait3A_281 = arith.constant 0 : i32
        %dma_wait3A_282 = tpu.memref_slice %arg2[%dma_wait3A_280, %dma_wait3A_281] : memref<10000x128xf32, #tpu.memory_space<hbm>> -> memref<10000x128xf32, #tpu.memory_space<hbm>>
        tpu.wait_indirect_dma semaphore(%arg44 : memref<!tpu.dma_semaphore, #tpu.memory_space<semaphore_mem>>) src(%dma_wait3A_282 : memref<10000x128xf32, #tpu.memory_space<hbm>>) dst(%arg25 : memref<40x128xf32, #tpu.memory_space<vmem>>)
        %dma_start3A_283 = arith.constant 0 : i32
        %dma_start3A_284 = arith.constant 0 : i32
        %dma_start3A_285 = tpu.memref_slice %arg34[%dma_start3A_283, %dma_start3A_284] : memref<10000x128xf32, #tpu.memory_space<vmem_shared>> -> memref<10000x128xf32, #tpu.memory_space<vmem_shared>>
        tpu.enqueue_indirect_dma source(%arg25 : memref<40x128xf32, #tpu.memory_space<vmem>>) target(%dma_start3A_285 : memref<10000x128xf32, #tpu.memory_space<vmem_shared>>) offsets(%arg16 : memref<40xi32, #tpu.memory_space<vmem>>) semaphore(%arg53 : memref<!tpu.dma_semaphore, #tpu.memory_space<semaphore_mem>>) {add = true}
      } else {
      }
      %add3A_206 = arith.constant 1 : i32
      %add3A_207 = arith.addi %add3A_198, %add3A_206 : i32
      %lt3A_208 = arith.constant 250 : i32
      %lt3A_209 = arith.cmpi slt, %add3A_207, %lt3A_208 : i32
      %convert_element_type3A_210 = arith.extui %lt3A_209 : i1 to i32
      %cond3A_211 = arith.constant 0 : i32
      %cond3A_212 = arith.cmpi ne, %convert_element_type3A_210, %cond3A_211 : i32
      scf.if %cond3A_212 {
        %ge3A = arith.constant 2 : i32
        %ge3A_262 = arith.cmpi sge, %add3A_207, %ge3A : i32
        %convert_element_type3A_263 = arith.extui %ge3A_262 : i1 to i32
        %cond3A_264 = arith.constant 0 : i32
        %cond3A_265 = arith.cmpi ne, %convert_element_type3A_263, %cond3A_264 : i32
        scf.if %cond3A_265 {
          %dma_wait3A_286 = arith.constant 0 : i32
          %dma_wait3A_287 = arith.constant 0 : i32
          %dma_wait3A_288 = tpu.memref_slice %arg34[%dma_wait3A_286, %dma_wait3A_287] : memref<10000x128xf32, #tpu.memory_space<vmem_shared>> -> memref<10000x128xf32, #tpu.memory_space<vmem_shared>>
          tpu.wait_indirect_dma semaphore(%arg61 : memref<!tpu.dma_semaphore, #tpu.memory_space<semaphore_mem>>) src(%arg33 : memref<40x128xf32, #tpu.memory_space<vmem>>) dst(%dma_wait3A_288 : memref<10000x128xf32, #tpu.memory_space<vmem_shared>>)
        } else {
        }
        %add3A_266 = arith.constant 7 : i32
        %add3A_267 = arith.addi %add3A_207, %add3A_266 : i32
        %lt3A_268 = arith.constant 250 : i32
        %lt3A_269 = arith.cmpi slt, %add3A_267, %lt3A_268 : i32
        %convert_element_type3A_270 = arith.extui %lt3A_269 : i1 to i32
        %cond3A_271 = arith.constant 0 : i32
        %cond3A_272 = arith.cmpi ne, %convert_element_type3A_270, %cond3A_271 : i32
        scf.if %cond3A_272 {
          %add3A_286 = arith.constant 7 : i32
          %add3A_287 = arith.addi %add3A_207, %add3A_286 : i32
          %mul3A_288 = arith.constant 40 : i32
          %mul3A_289 = arith.muli %add3A_287, %mul3A_288 : i32
          %add3A_290 = arith.addi %mul3A_2, %mul3A_289 : i32
          %dma_start3A_291 = tpu.memref_slice %arg3[%add3A_290] : memref<640000xi32, #tpu.memory_space<hbm>> -> memref<40xi32, #tpu.memory_space<hbm>>
          %dma_start3A_292 = tpu.memref_slice %arg3[%add3A_290] : memref<640000xi32, #tpu.memory_space<hbm>> -> memref<40xi32, #tpu.memory_space<hbm>>
          tpu.enqueue_dma source(%dma_start3A_292 : memref<40xi32, #tpu.memory_space<hbm>>) target(%arg15 : memref<40xi32, #tpu.memory_space<vmem>>) target_semaphore(%arg43 : memref<!tpu.dma_semaphore, #tpu.memory_space<semaphore_mem>>)
          %add3A_293 = arith.constant 320000 : i32
          %add3A_294 = arith.addi %add3A_293, %mul3A_2 : i32
          %mul3A_295 = arith.constant 40 : i32
          %mul3A_296 = arith.muli %add3A_287, %mul3A_295 : i32
          %add3A_297 = arith.addi %add3A_294, %mul3A_296 : i32
          %dma_start3A_298 = tpu.memref_slice %arg3[%add3A_297] : memref<640000xi32, #tpu.memory_space<hbm>> -> memref<40xi32, #tpu.memory_space<hbm>>
          %dma_start3A_299 = tpu.memref_slice %arg3[%add3A_297] : memref<640000xi32, #tpu.memory_space<hbm>> -> memref<40xi32, #tpu.memory_space<hbm>>
          tpu.enqueue_dma source(%dma_start3A_299 : memref<40xi32, #tpu.memory_space<hbm>>) target(%arg24 : memref<40xi32, #tpu.memory_space<vmem>>) target_semaphore(%arg43 : memref<!tpu.dma_semaphore, #tpu.memory_space<semaphore_mem>>)
        } else {
        }
        %add3A_273 = arith.constant 5 : i32
        %add3A_274 = arith.addi %add3A_207, %add3A_273 : i32
        %lt3A_275 = arith.constant 250 : i32
        %lt3A_276 = arith.cmpi slt, %add3A_274, %lt3A_275 : i32
        %convert_element_type3A_277 = arith.extui %lt3A_276 : i1 to i32
        %cond3A_278 = arith.constant 0 : i32
        %cond3A_279 = arith.cmpi ne, %convert_element_type3A_277, %cond3A_278 : i32
        scf.if %cond3A_279 {
          %add3A_286 = arith.constant 5 : i32
          %add3A_287 = arith.addi %add3A_207, %add3A_286 : i32
          %mul3A_288 = arith.constant 40 : i32
          %mul3A_289 = arith.muli %add3A_287, %mul3A_288 : i32
          %add3A_290 = arith.addi %mul3A_2, %mul3A_289 : i32
          %dma_wait3A_291 = tpu.memref_slice %arg3[%add3A_290] : memref<640000xi32, #tpu.memory_space<hbm>> -> memref<40xi32, #tpu.memory_space<hbm>>
          %dma_wait3A_292 = tpu.memref_slice %arg3[%add3A_290] : memref<640000xi32, #tpu.memory_space<hbm>> -> memref<40xi32, #tpu.memory_space<hbm>>
          tpu.wait_dma2 semaphore(%arg41 : memref<!tpu.dma_semaphore, #tpu.memory_space<semaphore_mem>>) src(%dma_wait3A_292 : memref<40xi32, #tpu.memory_space<hbm>>) dst(%arg13 : memref<40xi32, #tpu.memory_space<vmem>>)
          %add3A_293 = arith.constant 320000 : i32
          %add3A_294 = arith.addi %add3A_293, %mul3A_2 : i32
          %mul3A_295 = arith.constant 40 : i32
          %mul3A_296 = arith.muli %add3A_287, %mul3A_295 : i32
          %add3A_297 = arith.addi %add3A_294, %mul3A_296 : i32
          %dma_wait3A_298 = tpu.memref_slice %arg3[%add3A_297] : memref<640000xi32, #tpu.memory_space<hbm>> -> memref<40xi32, #tpu.memory_space<hbm>>
          %dma_wait3A_299 = tpu.memref_slice %arg3[%add3A_297] : memref<640000xi32, #tpu.memory_space<hbm>> -> memref<40xi32, #tpu.memory_space<hbm>>
          tpu.wait_dma2 semaphore(%arg41 : memref<!tpu.dma_semaphore, #tpu.memory_space<semaphore_mem>>) src(%dma_wait3A_299 : memref<40xi32, #tpu.memory_space<hbm>>) dst(%arg22 : memref<40xi32, #tpu.memory_space<vmem>>)
          %dma_start3A_300 = arith.constant 0 : i32
          %dma_start3A_301 = arith.constant 0 : i32
          %dma_start3A_302 = tpu.memref_slice %arg2[%dma_start3A_300, %dma_start3A_301] : memref<10000x128xf32, #tpu.memory_space<hbm>> -> memref<10000x128xf32, #tpu.memory_space<hbm>>
          tpu.enqueue_indirect_dma source(%dma_start3A_302 : memref<10000x128xf32, #tpu.memory_space<hbm>>) target(%arg31 : memref<40x128xf32, #tpu.memory_space<vmem>>) offsets(%arg13 : memref<40xi32, #tpu.memory_space<vmem>>) semaphore(%arg50 : memref<!tpu.dma_semaphore, #tpu.memory_space<semaphore_mem>>)
        } else {
        }
        %dma_wait3A_280 = arith.constant 0 : i32
        %dma_wait3A_281 = arith.constant 0 : i32
        %dma_wait3A_282 = tpu.memref_slice %arg2[%dma_wait3A_280, %dma_wait3A_281] : memref<10000x128xf32, #tpu.memory_space<hbm>> -> memref<10000x128xf32, #tpu.memory_space<hbm>>
        tpu.wait_indirect_dma semaphore(%arg45 : memref<!tpu.dma_semaphore, #tpu.memory_space<semaphore_mem>>) src(%dma_wait3A_282 : memref<10000x128xf32, #tpu.memory_space<hbm>>) dst(%arg26 : memref<40x128xf32, #tpu.memory_space<vmem>>)
        %dma_start3A_283 = arith.constant 0 : i32
        %dma_start3A_284 = arith.constant 0 : i32
        %dma_start3A_285 = tpu.memref_slice %arg34[%dma_start3A_283, %dma_start3A_284] : memref<10000x128xf32, #tpu.memory_space<vmem_shared>> -> memref<10000x128xf32, #tpu.memory_space<vmem_shared>>
        tpu.enqueue_indirect_dma source(%arg26 : memref<40x128xf32, #tpu.memory_space<vmem>>) target(%dma_start3A_285 : memref<10000x128xf32, #tpu.memory_space<vmem_shared>>) offsets(%arg17 : memref<40xi32, #tpu.memory_space<vmem>>) semaphore(%arg54 : memref<!tpu.dma_semaphore, #tpu.memory_space<semaphore_mem>>) {add = true}
      } else {
      }
      %add3A_213 = arith.constant 2 : i32
      %add3A_214 = arith.addi %add3A_198, %add3A_213 : i32
      %lt3A_215 = arith.constant 250 : i32
      %lt3A_216 = arith.cmpi slt, %add3A_214, %lt3A_215 : i32
      %convert_element_type3A_217 = arith.extui %lt3A_216 : i1 to i32
      %cond3A_218 = arith.constant 0 : i32
      %cond3A_219 = arith.cmpi ne, %convert_element_type3A_217, %cond3A_218 : i32
      scf.if %cond3A_219 {
        %ge3A = arith.constant 2 : i32
        %ge3A_262 = arith.cmpi sge, %add3A_214, %ge3A : i32
        %convert_element_type3A_263 = arith.extui %ge3A_262 : i1 to i32
        %cond3A_264 = arith.constant 0 : i32
        %cond3A_265 = arith.cmpi ne, %convert_element_type3A_263, %cond3A_264 : i32
        scf.if %cond3A_265 {
          %dma_wait3A_286 = arith.constant 0 : i32
          %dma_wait3A_287 = arith.constant 0 : i32
          %dma_wait3A_288 = tpu.memref_slice %arg34[%dma_wait3A_286, %dma_wait3A_287] : memref<10000x128xf32, #tpu.memory_space<vmem_shared>> -> memref<10000x128xf32, #tpu.memory_space<vmem_shared>>
          tpu.wait_indirect_dma semaphore(%arg53 : memref<!tpu.dma_semaphore, #tpu.memory_space<semaphore_mem>>) src(%arg25 : memref<40x128xf32, #tpu.memory_space<vmem>>) dst(%dma_wait3A_288 : memref<10000x128xf32, #tpu.memory_space<vmem_shared>>)
        } else {
        }
        %add3A_266 = arith.constant 7 : i32
        %add3A_267 = arith.addi %add3A_214, %add3A_266 : i32
        %lt3A_268 = arith.constant 250 : i32
        %lt3A_269 = arith.cmpi slt, %add3A_267, %lt3A_268 : i32
        %convert_element_type3A_270 = arith.extui %lt3A_269 : i1 to i32
        %cond3A_271 = arith.constant 0 : i32
        %cond3A_272 = arith.cmpi ne, %convert_element_type3A_270, %cond3A_271 : i32
        scf.if %cond3A_272 {
          %add3A_286 = arith.constant 7 : i32
          %add3A_287 = arith.addi %add3A_214, %add3A_286 : i32
          %mul3A_288 = arith.constant 40 : i32
          %mul3A_289 = arith.muli %add3A_287, %mul3A_288 : i32
          %add3A_290 = arith.addi %mul3A_2, %mul3A_289 : i32
          %dma_start3A_291 = tpu.memref_slice %arg3[%add3A_290] : memref<640000xi32, #tpu.memory_space<hbm>> -> memref<40xi32, #tpu.memory_space<hbm>>
          %dma_start3A_292 = tpu.memref_slice %arg3[%add3A_290] : memref<640000xi32, #tpu.memory_space<hbm>> -> memref<40xi32, #tpu.memory_space<hbm>>
          tpu.enqueue_dma source(%dma_start3A_292 : memref<40xi32, #tpu.memory_space<hbm>>) target(%arg7 : memref<40xi32, #tpu.memory_space<vmem>>) target_semaphore(%arg35 : memref<!tpu.dma_semaphore, #tpu.memory_space<semaphore_mem>>)
          %add3A_293 = arith.constant 320000 : i32
          %add3A_294 = arith.addi %add3A_293, %mul3A_2 : i32
          %mul3A_295 = arith.constant 40 : i32
          %mul3A_296 = arith.muli %add3A_287, %mul3A_295 : i32
          %add3A_297 = arith.addi %add3A_294, %mul3A_296 : i32
          %dma_start3A_298 = tpu.memref_slice %arg3[%add3A_297] : memref<640000xi32, #tpu.memory_space<hbm>> -> memref<40xi32, #tpu.memory_space<hbm>>
          %dma_start3A_299 = tpu.memref_slice %arg3[%add3A_297] : memref<640000xi32, #tpu.memory_space<hbm>> -> memref<40xi32, #tpu.memory_space<hbm>>
          tpu.enqueue_dma source(%dma_start3A_299 : memref<40xi32, #tpu.memory_space<hbm>>) target(%arg16 : memref<40xi32, #tpu.memory_space<vmem>>) target_semaphore(%arg35 : memref<!tpu.dma_semaphore, #tpu.memory_space<semaphore_mem>>)
        } else {
        }
        %add3A_273 = arith.constant 5 : i32
        %add3A_274 = arith.addi %add3A_214, %add3A_273 : i32
        %lt3A_275 = arith.constant 250 : i32
        %lt3A_276 = arith.cmpi slt, %add3A_274, %lt3A_275 : i32
        %convert_element_type3A_277 = arith.extui %lt3A_276 : i1 to i32
        %cond3A_278 = arith.constant 0 : i32
        %cond3A_279 = arith.cmpi ne, %convert_element_type3A_277, %cond3A_278 : i32
        scf.if %cond3A_279 {
          %add3A_286 = arith.constant 5 : i32
          %add3A_287 = arith.addi %add3A_214, %add3A_286 : i32
          %mul3A_288 = arith.constant 40 : i32
          %mul3A_289 = arith.muli %add3A_287, %mul3A_288 : i32
          %add3A_290 = arith.addi %mul3A_2, %mul3A_289 : i32
          %dma_wait3A_291 = tpu.memref_slice %arg3[%add3A_290] : memref<640000xi32, #tpu.memory_space<hbm>> -> memref<40xi32, #tpu.memory_space<hbm>>
          %dma_wait3A_292 = tpu.memref_slice %arg3[%add3A_290] : memref<640000xi32, #tpu.memory_space<hbm>> -> memref<40xi32, #tpu.memory_space<hbm>>
          tpu.wait_dma2 semaphore(%arg42 : memref<!tpu.dma_semaphore, #tpu.memory_space<semaphore_mem>>) src(%dma_wait3A_292 : memref<40xi32, #tpu.memory_space<hbm>>) dst(%arg14 : memref<40xi32, #tpu.memory_space<vmem>>)
          %add3A_293 = arith.constant 320000 : i32
          %add3A_294 = arith.addi %add3A_293, %mul3A_2 : i32
          %mul3A_295 = arith.constant 40 : i32
          %mul3A_296 = arith.muli %add3A_287, %mul3A_295 : i32
          %add3A_297 = arith.addi %add3A_294, %mul3A_296 : i32
          %dma_wait3A_298 = tpu.memref_slice %arg3[%add3A_297] : memref<640000xi32, #tpu.memory_space<hbm>> -> memref<40xi32, #tpu.memory_space<hbm>>
          %dma_wait3A_299 = tpu.memref_slice %arg3[%add3A_297] : memref<640000xi32, #tpu.memory_space<hbm>> -> memref<40xi32, #tpu.memory_space<hbm>>
          tpu.wait_dma2 semaphore(%arg42 : memref<!tpu.dma_semaphore, #tpu.memory_space<semaphore_mem>>) src(%dma_wait3A_299 : memref<40xi32, #tpu.memory_space<hbm>>) dst(%arg23 : memref<40xi32, #tpu.memory_space<vmem>>)
          %dma_start3A_300 = arith.constant 0 : i32
          %dma_start3A_301 = arith.constant 0 : i32
          %dma_start3A_302 = tpu.memref_slice %arg2[%dma_start3A_300, %dma_start3A_301] : memref<10000x128xf32, #tpu.memory_space<hbm>> -> memref<10000x128xf32, #tpu.memory_space<hbm>>
          tpu.enqueue_indirect_dma source(%dma_start3A_302 : memref<10000x128xf32, #tpu.memory_space<hbm>>) target(%arg32 : memref<40x128xf32, #tpu.memory_space<vmem>>) offsets(%arg14 : memref<40xi32, #tpu.memory_space<vmem>>) semaphore(%arg51 : memref<!tpu.dma_semaphore, #tpu.memory_space<semaphore_mem>>)
        } else {
        }
        %dma_wait3A_280 = arith.constant 0 : i32
        %dma_wait3A_281 = arith.constant 0 : i32
        %dma_wait3A_282 = tpu.memref_slice %arg2[%dma_wait3A_280, %dma_wait3A_281] : memref<10000x128xf32, #tpu.memory_space<hbm>> -> memref<10000x128xf32, #tpu.memory_space<hbm>>
        tpu.wait_indirect_dma semaphore(%arg46 : memref<!tpu.dma_semaphore, #tpu.memory_space<semaphore_mem>>) src(%dma_wait3A_282 : memref<10000x128xf32, #tpu.memory_space<hbm>>) dst(%arg27 : memref<40x128xf32, #tpu.memory_space<vmem>>)
        %dma_start3A_283 = arith.constant 0 : i32
        %dma_start3A_284 = arith.constant 0 : i32
        %dma_start3A_285 = tpu.memref_slice %arg34[%dma_start3A_283, %dma_start3A_284] : memref<10000x128xf32, #tpu.memory_space<vmem_shared>> -> memref<10000x128xf32, #tpu.memory_space<vmem_shared>>
        tpu.enqueue_indirect_dma source(%arg27 : memref<40x128xf32, #tpu.memory_space<vmem>>) target(%dma_start3A_285 : memref<10000x128xf32, #tpu.memory_space<vmem_shared>>) offsets(%arg18 : memref<40xi32, #tpu.memory_space<vmem>>) semaphore(%arg55 : memref<!tpu.dma_semaphore, #tpu.memory_space<semaphore_mem>>) {add = true}
      } else {
      }
      %add3A_220 = arith.constant 3 : i32
      %add3A_221 = arith.addi %add3A_198, %add3A_220 : i32
      %lt3A_222 = arith.constant 250 : i32
      %lt3A_223 = arith.cmpi slt, %add3A_221, %lt3A_222 : i32
      %convert_element_type3A_224 = arith.extui %lt3A_223 : i1 to i32
      %cond3A_225 = arith.constant 0 : i32
      %cond3A_226 = arith.cmpi ne, %convert_element_type3A_224, %cond3A_225 : i32
      scf.if %cond3A_226 {
        %ge3A = arith.constant 2 : i32
        %ge3A_262 = arith.cmpi sge, %add3A_221, %ge3A : i32
        %convert_element_type3A_263 = arith.extui %ge3A_262 : i1 to i32
        %cond3A_264 = arith.constant 0 : i32
        %cond3A_265 = arith.cmpi ne, %convert_element_type3A_263, %cond3A_264 : i32
        scf.if %cond3A_265 {
          %dma_wait3A_286 = arith.constant 0 : i32
          %dma_wait3A_287 = arith.constant 0 : i32
          %dma_wait3A_288 = tpu.memref_slice %arg34[%dma_wait3A_286, %dma_wait3A_287] : memref<10000x128xf32, #tpu.memory_space<vmem_shared>> -> memref<10000x128xf32, #tpu.memory_space<vmem_shared>>
          tpu.wait_indirect_dma semaphore(%arg54 : memref<!tpu.dma_semaphore, #tpu.memory_space<semaphore_mem>>) src(%arg26 : memref<40x128xf32, #tpu.memory_space<vmem>>) dst(%dma_wait3A_288 : memref<10000x128xf32, #tpu.memory_space<vmem_shared>>)
        } else {
        }
        %add3A_266 = arith.constant 7 : i32
        %add3A_267 = arith.addi %add3A_221, %add3A_266 : i32
        %lt3A_268 = arith.constant 250 : i32
        %lt3A_269 = arith.cmpi slt, %add3A_267, %lt3A_268 : i32
        %convert_element_type3A_270 = arith.extui %lt3A_269 : i1 to i32
        %cond3A_271 = arith.constant 0 : i32
        %cond3A_272 = arith.cmpi ne, %convert_element_type3A_270, %cond3A_271 : i32
        scf.if %cond3A_272 {
          %add3A_286 = arith.constant 7 : i32
          %add3A_287 = arith.addi %add3A_221, %add3A_286 : i32
          %mul3A_288 = arith.constant 40 : i32
          %mul3A_289 = arith.muli %add3A_287, %mul3A_288 : i32
          %add3A_290 = arith.addi %mul3A_2, %mul3A_289 : i32
          %dma_start3A_291 = tpu.memref_slice %arg3[%add3A_290] : memref<640000xi32, #tpu.memory_space<hbm>> -> memref<40xi32, #tpu.memory_space<hbm>>
          %dma_start3A_292 = tpu.memref_slice %arg3[%add3A_290] : memref<640000xi32, #tpu.memory_space<hbm>> -> memref<40xi32, #tpu.memory_space<hbm>>
          tpu.enqueue_dma source(%dma_start3A_292 : memref<40xi32, #tpu.memory_space<hbm>>) target(%arg8 : memref<40xi32, #tpu.memory_space<vmem>>) target_semaphore(%arg36 : memref<!tpu.dma_semaphore, #tpu.memory_space<semaphore_mem>>)
          %add3A_293 = arith.constant 320000 : i32
          %add3A_294 = arith.addi %add3A_293, %mul3A_2 : i32
          %mul3A_295 = arith.constant 40 : i32
          %mul3A_296 = arith.muli %add3A_287, %mul3A_295 : i32
          %add3A_297 = arith.addi %add3A_294, %mul3A_296 : i32
          %dma_start3A_298 = tpu.memref_slice %arg3[%add3A_297] : memref<640000xi32, #tpu.memory_space<hbm>> -> memref<40xi32, #tpu.memory_space<hbm>>
          %dma_start3A_299 = tpu.memref_slice %arg3[%add3A_297] : memref<640000xi32, #tpu.memory_space<hbm>> -> memref<40xi32, #tpu.memory_space<hbm>>
          tpu.enqueue_dma source(%dma_start3A_299 : memref<40xi32, #tpu.memory_space<hbm>>) target(%arg17 : memref<40xi32, #tpu.memory_space<vmem>>) target_semaphore(%arg36 : memref<!tpu.dma_semaphore, #tpu.memory_space<semaphore_mem>>)
        } else {
        }
        %add3A_273 = arith.constant 5 : i32
        %add3A_274 = arith.addi %add3A_221, %add3A_273 : i32
        %lt3A_275 = arith.constant 250 : i32
        %lt3A_276 = arith.cmpi slt, %add3A_274, %lt3A_275 : i32
        %convert_element_type3A_277 = arith.extui %lt3A_276 : i1 to i32
        %cond3A_278 = arith.constant 0 : i32
        %cond3A_279 = arith.cmpi ne, %convert_element_type3A_277, %cond3A_278 : i32
        scf.if %cond3A_279 {
          %add3A_286 = arith.constant 5 : i32
          %add3A_287 = arith.addi %add3A_221, %add3A_286 : i32
          %mul3A_288 = arith.constant 40 : i32
          %mul3A_289 = arith.muli %add3A_287, %mul3A_288 : i32
          %add3A_290 = arith.addi %mul3A_2, %mul3A_289 : i32
          %dma_wait3A_291 = tpu.memref_slice %arg3[%add3A_290] : memref<640000xi32, #tpu.memory_space<hbm>> -> memref<40xi32, #tpu.memory_space<hbm>>
          %dma_wait3A_292 = tpu.memref_slice %arg3[%add3A_290] : memref<640000xi32, #tpu.memory_space<hbm>> -> memref<40xi32, #tpu.memory_space<hbm>>
          tpu.wait_dma2 semaphore(%arg43 : memref<!tpu.dma_semaphore, #tpu.memory_space<semaphore_mem>>) src(%dma_wait3A_292 : memref<40xi32, #tpu.memory_space<hbm>>) dst(%arg15 : memref<40xi32, #tpu.memory_space<vmem>>)
          %add3A_293 = arith.constant 320000 : i32
          %add3A_294 = arith.addi %add3A_293, %mul3A_2 : i32
          %mul3A_295 = arith.constant 40 : i32
          %mul3A_296 = arith.muli %add3A_287, %mul3A_295 : i32
          %add3A_297 = arith.addi %add3A_294, %mul3A_296 : i32
          %dma_wait3A_298 = tpu.memref_slice %arg3[%add3A_297] : memref<640000xi32, #tpu.memory_space<hbm>> -> memref<40xi32, #tpu.memory_space<hbm>>
          %dma_wait3A_299 = tpu.memref_slice %arg3[%add3A_297] : memref<640000xi32, #tpu.memory_space<hbm>> -> memref<40xi32, #tpu.memory_space<hbm>>
          tpu.wait_dma2 semaphore(%arg43 : memref<!tpu.dma_semaphore, #tpu.memory_space<semaphore_mem>>) src(%dma_wait3A_299 : memref<40xi32, #tpu.memory_space<hbm>>) dst(%arg24 : memref<40xi32, #tpu.memory_space<vmem>>)
          %dma_start3A_300 = arith.constant 0 : i32
          %dma_start3A_301 = arith.constant 0 : i32
          %dma_start3A_302 = tpu.memref_slice %arg2[%dma_start3A_300, %dma_start3A_301] : memref<10000x128xf32, #tpu.memory_space<hbm>> -> memref<10000x128xf32, #tpu.memory_space<hbm>>
          tpu.enqueue_indirect_dma source(%dma_start3A_302 : memref<10000x128xf32, #tpu.memory_space<hbm>>) target(%arg33 : memref<40x128xf32, #tpu.memory_space<vmem>>) offsets(%arg15 : memref<40xi32, #tpu.memory_space<vmem>>) semaphore(%arg52 : memref<!tpu.dma_semaphore, #tpu.memory_space<semaphore_mem>>)
        } else {
        }
        %dma_wait3A_280 = arith.constant 0 : i32
        %dma_wait3A_281 = arith.constant 0 : i32
        %dma_wait3A_282 = tpu.memref_slice %arg2[%dma_wait3A_280, %dma_wait3A_281] : memref<10000x128xf32, #tpu.memory_space<hbm>> -> memref<10000x128xf32, #tpu.memory_space<hbm>>
        tpu.wait_indirect_dma semaphore(%arg47 : memref<!tpu.dma_semaphore, #tpu.memory_space<semaphore_mem>>) src(%dma_wait3A_282 : memref<10000x128xf32, #tpu.memory_space<hbm>>) dst(%arg28 : memref<40x128xf32, #tpu.memory_space<vmem>>)
        %dma_start3A_283 = arith.constant 0 : i32
        %dma_start3A_284 = arith.constant 0 : i32
        %dma_start3A_285 = tpu.memref_slice %arg34[%dma_start3A_283, %dma_start3A_284] : memref<10000x128xf32, #tpu.memory_space<vmem_shared>> -> memref<10000x128xf32, #tpu.memory_space<vmem_shared>>
        tpu.enqueue_indirect_dma source(%arg28 : memref<40x128xf32, #tpu.memory_space<vmem>>) target(%dma_start3A_285 : memref<10000x128xf32, #tpu.memory_space<vmem_shared>>) offsets(%arg19 : memref<40xi32, #tpu.memory_space<vmem>>) semaphore(%arg56 : memref<!tpu.dma_semaphore, #tpu.memory_space<semaphore_mem>>) {add = true}
      } else {
      }
      %add3A_227 = arith.constant 4 : i32
      %add3A_228 = arith.addi %add3A_198, %add3A_227 : i32
      %lt3A_229 = arith.constant 250 : i32
      %lt3A_230 = arith.cmpi slt, %add3A_228, %lt3A_229 : i32
      %convert_element_type3A_231 = arith.extui %lt3A_230 : i1 to i32
      %cond3A_232 = arith.constant 0 : i32
      %cond3A_233 = arith.cmpi ne, %convert_element_type3A_231, %cond3A_232 : i32
      scf.if %cond3A_233 {
        %ge3A = arith.constant 2 : i32
        %ge3A_262 = arith.cmpi sge, %add3A_228, %ge3A : i32
        %convert_element_type3A_263 = arith.extui %ge3A_262 : i1 to i32
        %cond3A_264 = arith.constant 0 : i32
        %cond3A_265 = arith.cmpi ne, %convert_element_type3A_263, %cond3A_264 : i32
        scf.if %cond3A_265 {
          %dma_wait3A_286 = arith.constant 0 : i32
          %dma_wait3A_287 = arith.constant 0 : i32
          %dma_wait3A_288 = tpu.memref_slice %arg34[%dma_wait3A_286, %dma_wait3A_287] : memref<10000x128xf32, #tpu.memory_space<vmem_shared>> -> memref<10000x128xf32, #tpu.memory_space<vmem_shared>>
          tpu.wait_indirect_dma semaphore(%arg55 : memref<!tpu.dma_semaphore, #tpu.memory_space<semaphore_mem>>) src(%arg27 : memref<40x128xf32, #tpu.memory_space<vmem>>) dst(%dma_wait3A_288 : memref<10000x128xf32, #tpu.memory_space<vmem_shared>>)
        } else {
        }
        %add3A_266 = arith.constant 7 : i32
        %add3A_267 = arith.addi %add3A_228, %add3A_266 : i32
        %lt3A_268 = arith.constant 250 : i32
        %lt3A_269 = arith.cmpi slt, %add3A_267, %lt3A_268 : i32
        %convert_element_type3A_270 = arith.extui %lt3A_269 : i1 to i32
        %cond3A_271 = arith.constant 0 : i32
        %cond3A_272 = arith.cmpi ne, %convert_element_type3A_270, %cond3A_271 : i32
        scf.if %cond3A_272 {
          %add3A_286 = arith.constant 7 : i32
          %add3A_287 = arith.addi %add3A_228, %add3A_286 : i32
          %mul3A_288 = arith.constant 40 : i32
          %mul3A_289 = arith.muli %add3A_287, %mul3A_288 : i32
          %add3A_290 = arith.addi %mul3A_2, %mul3A_289 : i32
          %dma_start3A_291 = tpu.memref_slice %arg3[%add3A_290] : memref<640000xi32, #tpu.memory_space<hbm>> -> memref<40xi32, #tpu.memory_space<hbm>>
          %dma_start3A_292 = tpu.memref_slice %arg3[%add3A_290] : memref<640000xi32, #tpu.memory_space<hbm>> -> memref<40xi32, #tpu.memory_space<hbm>>
          tpu.enqueue_dma source(%dma_start3A_292 : memref<40xi32, #tpu.memory_space<hbm>>) target(%arg9 : memref<40xi32, #tpu.memory_space<vmem>>) target_semaphore(%arg37 : memref<!tpu.dma_semaphore, #tpu.memory_space<semaphore_mem>>)
          %add3A_293 = arith.constant 320000 : i32
          %add3A_294 = arith.addi %add3A_293, %mul3A_2 : i32
          %mul3A_295 = arith.constant 40 : i32
          %mul3A_296 = arith.muli %add3A_287, %mul3A_295 : i32
          %add3A_297 = arith.addi %add3A_294, %mul3A_296 : i32
          %dma_start3A_298 = tpu.memref_slice %arg3[%add3A_297] : memref<640000xi32, #tpu.memory_space<hbm>> -> memref<40xi32, #tpu.memory_space<hbm>>
          %dma_start3A_299 = tpu.memref_slice %arg3[%add3A_297] : memref<640000xi32, #tpu.memory_space<hbm>> -> memref<40xi32, #tpu.memory_space<hbm>>
          tpu.enqueue_dma source(%dma_start3A_299 : memref<40xi32, #tpu.memory_space<hbm>>) target(%arg18 : memref<40xi32, #tpu.memory_space<vmem>>) target_semaphore(%arg37 : memref<!tpu.dma_semaphore, #tpu.memory_space<semaphore_mem>>)
        } else {
        }
        %add3A_273 = arith.constant 5 : i32
        %add3A_274 = arith.addi %add3A_228, %add3A_273 : i32
        %lt3A_275 = arith.constant 250 : i32
        %lt3A_276 = arith.cmpi slt, %add3A_274, %lt3A_275 : i32
        %convert_element_type3A_277 = arith.extui %lt3A_276 : i1 to i32
        %cond3A_278 = arith.constant 0 : i32
        %cond3A_279 = arith.cmpi ne, %convert_element_type3A_277, %cond3A_278 : i32
        scf.if %cond3A_279 {
          %add3A_286 = arith.constant 5 : i32
          %add3A_287 = arith.addi %add3A_228, %add3A_286 : i32
          %mul3A_288 = arith.constant 40 : i32
          %mul3A_289 = arith.muli %add3A_287, %mul3A_288 : i32
          %add3A_290 = arith.addi %mul3A_2, %mul3A_289 : i32
          %dma_wait3A_291 = tpu.memref_slice %arg3[%add3A_290] : memref<640000xi32, #tpu.memory_space<hbm>> -> memref<40xi32, #tpu.memory_space<hbm>>
          %dma_wait3A_292 = tpu.memref_slice %arg3[%add3A_290] : memref<640000xi32, #tpu.memory_space<hbm>> -> memref<40xi32, #tpu.memory_space<hbm>>
          tpu.wait_dma2 semaphore(%arg35 : memref<!tpu.dma_semaphore, #tpu.memory_space<semaphore_mem>>) src(%dma_wait3A_292 : memref<40xi32, #tpu.memory_space<hbm>>) dst(%arg7 : memref<40xi32, #tpu.memory_space<vmem>>)
          %add3A_293 = arith.constant 320000 : i32
          %add3A_294 = arith.addi %add3A_293, %mul3A_2 : i32
          %mul3A_295 = arith.constant 40 : i32
          %mul3A_296 = arith.muli %add3A_287, %mul3A_295 : i32
          %add3A_297 = arith.addi %add3A_294, %mul3A_296 : i32
          %dma_wait3A_298 = tpu.memref_slice %arg3[%add3A_297] : memref<640000xi32, #tpu.memory_space<hbm>> -> memref<40xi32, #tpu.memory_space<hbm>>
          %dma_wait3A_299 = tpu.memref_slice %arg3[%add3A_297] : memref<640000xi32, #tpu.memory_space<hbm>> -> memref<40xi32, #tpu.memory_space<hbm>>
          tpu.wait_dma2 semaphore(%arg35 : memref<!tpu.dma_semaphore, #tpu.memory_space<semaphore_mem>>) src(%dma_wait3A_299 : memref<40xi32, #tpu.memory_space<hbm>>) dst(%arg16 : memref<40xi32, #tpu.memory_space<vmem>>)
          %dma_start3A_300 = arith.constant 0 : i32
          %dma_start3A_301 = arith.constant 0 : i32
          %dma_start3A_302 = tpu.memref_slice %arg2[%dma_start3A_300, %dma_start3A_301] : memref<10000x128xf32, #tpu.memory_space<hbm>> -> memref<10000x128xf32, #tpu.memory_space<hbm>>
          tpu.enqueue_indirect_dma source(%dma_start3A_302 : memref<10000x128xf32, #tpu.memory_space<hbm>>) target(%arg25 : memref<40x128xf32, #tpu.memory_space<vmem>>) offsets(%arg7 : memref<40xi32, #tpu.memory_space<vmem>>) semaphore(%arg44 : memref<!tpu.dma_semaphore, #tpu.memory_space<semaphore_mem>>)
        } else {
        }
        %dma_wait3A_280 = arith.constant 0 : i32
        %dma_wait3A_281 = arith.constant 0 : i32
        %dma_wait3A_282 = tpu.memref_slice %arg2[%dma_wait3A_280, %dma_wait3A_281] : memref<10000x128xf32, #tpu.memory_space<hbm>> -> memref<10000x128xf32, #tpu.memory_space<hbm>>
        tpu.wait_indirect_dma semaphore(%arg48 : memref<!tpu.dma_semaphore, #tpu.memory_space<semaphore_mem>>) src(%dma_wait3A_282 : memref<10000x128xf32, #tpu.memory_space<hbm>>) dst(%arg29 : memref<40x128xf32, #tpu.memory_space<vmem>>)
        %dma_start3A_283 = arith.constant 0 : i32
        %dma_start3A_284 = arith.constant 0 : i32
        %dma_start3A_285 = tpu.memref_slice %arg34[%dma_start3A_283, %dma_start3A_284] : memref<10000x128xf32, #tpu.memory_space<vmem_shared>> -> memref<10000x128xf32, #tpu.memory_space<vmem_shared>>
        tpu.enqueue_indirect_dma source(%arg29 : memref<40x128xf32, #tpu.memory_space<vmem>>) target(%dma_start3A_285 : memref<10000x128xf32, #tpu.memory_space<vmem_shared>>) offsets(%arg20 : memref<40xi32, #tpu.memory_space<vmem>>) semaphore(%arg57 : memref<!tpu.dma_semaphore, #tpu.memory_space<semaphore_mem>>) {add = true}
      } else {
      }
      %add3A_234 = arith.constant 5 : i32
      %add3A_235 = arith.addi %add3A_198, %add3A_234 : i32
      %lt3A_236 = arith.constant 250 : i32
      %lt3A_237 = arith.cmpi slt, %add3A_235, %lt3A_236 : i32
      %convert_element_type3A_238 = arith.extui %lt3A_237 : i1 to i32
      %cond3A_239 = arith.constant 0 : i32
      %cond3A_240 = arith.cmpi ne, %convert_element_type3A_238, %cond3A_239 : i32
      scf.if %cond3A_240 {
        %ge3A = arith.constant 2 : i32
        %ge3A_262 = arith.cmpi sge, %add3A_235, %ge3A : i32
        %convert_element_type3A_263 = arith.extui %ge3A_262 : i1 to i32
        %cond3A_264 = arith.constant 0 : i32
        %cond3A_265 = arith.cmpi ne, %convert_element_type3A_263, %cond3A_264 : i32
        scf.if %cond3A_265 {
          %dma_wait3A_286 = arith.constant 0 : i32
          %dma_wait3A_287 = arith.constant 0 : i32
          %dma_wait3A_288 = tpu.memref_slice %arg34[%dma_wait3A_286, %dma_wait3A_287] : memref<10000x128xf32, #tpu.memory_space<vmem_shared>> -> memref<10000x128xf32, #tpu.memory_space<vmem_shared>>
          tpu.wait_indirect_dma semaphore(%arg56 : memref<!tpu.dma_semaphore, #tpu.memory_space<semaphore_mem>>) src(%arg28 : memref<40x128xf32, #tpu.memory_space<vmem>>) dst(%dma_wait3A_288 : memref<10000x128xf32, #tpu.memory_space<vmem_shared>>)
        } else {
        }
        %add3A_266 = arith.constant 7 : i32
        %add3A_267 = arith.addi %add3A_235, %add3A_266 : i32
        %lt3A_268 = arith.constant 250 : i32
        %lt3A_269 = arith.cmpi slt, %add3A_267, %lt3A_268 : i32
        %convert_element_type3A_270 = arith.extui %lt3A_269 : i1 to i32
        %cond3A_271 = arith.constant 0 : i32
        %cond3A_272 = arith.cmpi ne, %convert_element_type3A_270, %cond3A_271 : i32
        scf.if %cond3A_272 {
          %add3A_286 = arith.constant 7 : i32
          %add3A_287 = arith.addi %add3A_235, %add3A_286 : i32
          %mul3A_288 = arith.constant 40 : i32
          %mul3A_289 = arith.muli %add3A_287, %mul3A_288 : i32
          %add3A_290 = arith.addi %mul3A_2, %mul3A_289 : i32
          %dma_start3A_291 = tpu.memref_slice %arg3[%add3A_290] : memref<640000xi32, #tpu.memory_space<hbm>> -> memref<40xi32, #tpu.memory_space<hbm>>
          %dma_start3A_292 = tpu.memref_slice %arg3[%add3A_290] : memref<640000xi32, #tpu.memory_space<hbm>> -> memref<40xi32, #tpu.memory_space<hbm>>
          tpu.enqueue_dma source(%dma_start3A_292 : memref<40xi32, #tpu.memory_space<hbm>>) target(%arg10 : memref<40xi32, #tpu.memory_space<vmem>>) target_semaphore(%arg38 : memref<!tpu.dma_semaphore, #tpu.memory_space<semaphore_mem>>)
          %add3A_293 = arith.constant 320000 : i32
          %add3A_294 = arith.addi %add3A_293, %mul3A_2 : i32
          %mul3A_295 = arith.constant 40 : i32
          %mul3A_296 = arith.muli %add3A_287, %mul3A_295 : i32
          %add3A_297 = arith.addi %add3A_294, %mul3A_296 : i32
          %dma_start3A_298 = tpu.memref_slice %arg3[%add3A_297] : memref<640000xi32, #tpu.memory_space<hbm>> -> memref<40xi32, #tpu.memory_space<hbm>>
          %dma_start3A_299 = tpu.memref_slice %arg3[%add3A_297] : memref<640000xi32, #tpu.memory_space<hbm>> -> memref<40xi32, #tpu.memory_space<hbm>>
          tpu.enqueue_dma source(%dma_start3A_299 : memref<40xi32, #tpu.memory_space<hbm>>) target(%arg19 : memref<40xi32, #tpu.memory_space<vmem>>) target_semaphore(%arg38 : memref<!tpu.dma_semaphore, #tpu.memory_space<semaphore_mem>>)
        } else {
        }
        %add3A_273 = arith.constant 5 : i32
        %add3A_274 = arith.addi %add3A_235, %add3A_273 : i32
        %lt3A_275 = arith.constant 250 : i32
        %lt3A_276 = arith.cmpi slt, %add3A_274, %lt3A_275 : i32
        %convert_element_type3A_277 = arith.extui %lt3A_276 : i1 to i32
        %cond3A_278 = arith.constant 0 : i32
        %cond3A_279 = arith.cmpi ne, %convert_element_type3A_277, %cond3A_278 : i32
        scf.if %cond3A_279 {
          %add3A_286 = arith.constant 5 : i32
          %add3A_287 = arith.addi %add3A_235, %add3A_286 : i32
          %mul3A_288 = arith.constant 40 : i32
          %mul3A_289 = arith.muli %add3A_287, %mul3A_288 : i32
          %add3A_290 = arith.addi %mul3A_2, %mul3A_289 : i32
          %dma_wait3A_291 = tpu.memref_slice %arg3[%add3A_290] : memref<640000xi32, #tpu.memory_space<hbm>> -> memref<40xi32, #tpu.memory_space<hbm>>
          %dma_wait3A_292 = tpu.memref_slice %arg3[%add3A_290] : memref<640000xi32, #tpu.memory_space<hbm>> -> memref<40xi32, #tpu.memory_space<hbm>>
          tpu.wait_dma2 semaphore(%arg36 : memref<!tpu.dma_semaphore, #tpu.memory_space<semaphore_mem>>) src(%dma_wait3A_292 : memref<40xi32, #tpu.memory_space<hbm>>) dst(%arg8 : memref<40xi32, #tpu.memory_space<vmem>>)
          %add3A_293 = arith.constant 320000 : i32
          %add3A_294 = arith.addi %add3A_293, %mul3A_2 : i32
          %mul3A_295 = arith.constant 40 : i32
          %mul3A_296 = arith.muli %add3A_287, %mul3A_295 : i32
          %add3A_297 = arith.addi %add3A_294, %mul3A_296 : i32
          %dma_wait3A_298 = tpu.memref_slice %arg3[%add3A_297] : memref<640000xi32, #tpu.memory_space<hbm>> -> memref<40xi32, #tpu.memory_space<hbm>>
          %dma_wait3A_299 = tpu.memref_slice %arg3[%add3A_297] : memref<640000xi32, #tpu.memory_space<hbm>> -> memref<40xi32, #tpu.memory_space<hbm>>
          tpu.wait_dma2 semaphore(%arg36 : memref<!tpu.dma_semaphore, #tpu.memory_space<semaphore_mem>>) src(%dma_wait3A_299 : memref<40xi32, #tpu.memory_space<hbm>>) dst(%arg17 : memref<40xi32, #tpu.memory_space<vmem>>)
          %dma_start3A_300 = arith.constant 0 : i32
          %dma_start3A_301 = arith.constant 0 : i32
          %dma_start3A_302 = tpu.memref_slice %arg2[%dma_start3A_300, %dma_start3A_301] : memref<10000x128xf32, #tpu.memory_space<hbm>> -> memref<10000x128xf32, #tpu.memory_space<hbm>>
          tpu.enqueue_indirect_dma source(%dma_start3A_302 : memref<10000x128xf32, #tpu.memory_space<hbm>>) target(%arg26 : memref<40x128xf32, #tpu.memory_space<vmem>>) offsets(%arg8 : memref<40xi32, #tpu.memory_space<vmem>>) semaphore(%arg45 : memref<!tpu.dma_semaphore, #tpu.memory_space<semaphore_mem>>)
        } else {
        }
        %dma_wait3A_280 = arith.constant 0 : i32
        %dma_wait3A_281 = arith.constant 0 : i32
        %dma_wait3A_282 = tpu.memref_slice %arg2[%dma_wait3A_280, %dma_wait3A_281] : memref<10000x128xf32, #tpu.memory_space<hbm>> -> memref<10000x128xf32, #tpu.memory_space<hbm>>
        tpu.wait_indirect_dma semaphore(%arg49 : memref<!tpu.dma_semaphore, #tpu.memory_space<semaphore_mem>>) src(%dma_wait3A_282 : memref<10000x128xf32, #tpu.memory_space<hbm>>) dst(%arg30 : memref<40x128xf32, #tpu.memory_space<vmem>>)
        %dma_start3A_283 = arith.constant 0 : i32
        %dma_start3A_284 = arith.constant 0 : i32
        %dma_start3A_285 = tpu.memref_slice %arg34[%dma_start3A_283, %dma_start3A_284] : memref<10000x128xf32, #tpu.memory_space<vmem_shared>> -> memref<10000x128xf32, #tpu.memory_space<vmem_shared>>
        tpu.enqueue_indirect_dma source(%arg30 : memref<40x128xf32, #tpu.memory_space<vmem>>) target(%dma_start3A_285 : memref<10000x128xf32, #tpu.memory_space<vmem_shared>>) offsets(%arg21 : memref<40xi32, #tpu.memory_space<vmem>>) semaphore(%arg58 : memref<!tpu.dma_semaphore, #tpu.memory_space<semaphore_mem>>) {add = true}
      } else {
      }
      %add3A_241 = arith.constant 6 : i32
      %add3A_242 = arith.addi %add3A_198, %add3A_241 : i32
      %lt3A_243 = arith.constant 250 : i32
      %lt3A_244 = arith.cmpi slt, %add3A_242, %lt3A_243 : i32
      %convert_element_type3A_245 = arith.extui %lt3A_244 : i1 to i32
      %cond3A_246 = arith.constant 0 : i32
      %cond3A_247 = arith.cmpi ne, %convert_element_type3A_245, %cond3A_246 : i32
      scf.if %cond3A_247 {
        %ge3A = arith.constant 2 : i32
        %ge3A_262 = arith.cmpi sge, %add3A_242, %ge3A : i32
        %convert_element_type3A_263 = arith.extui %ge3A_262 : i1 to i32
        %cond3A_264 = arith.constant 0 : i32
        %cond3A_265 = arith.cmpi ne, %convert_element_type3A_263, %cond3A_264 : i32
        scf.if %cond3A_265 {
          %dma_wait3A_286 = arith.constant 0 : i32
          %dma_wait3A_287 = arith.constant 0 : i32
          %dma_wait3A_288 = tpu.memref_slice %arg34[%dma_wait3A_286, %dma_wait3A_287] : memref<10000x128xf32, #tpu.memory_space<vmem_shared>> -> memref<10000x128xf32, #tpu.memory_space<vmem_shared>>
          tpu.wait_indirect_dma semaphore(%arg57 : memref<!tpu.dma_semaphore, #tpu.memory_space<semaphore_mem>>) src(%arg29 : memref<40x128xf32, #tpu.memory_space<vmem>>) dst(%dma_wait3A_288 : memref<10000x128xf32, #tpu.memory_space<vmem_shared>>)
        } else {
        }
        %add3A_266 = arith.constant 7 : i32
        %add3A_267 = arith.addi %add3A_242, %add3A_266 : i32
        %lt3A_268 = arith.constant 250 : i32
        %lt3A_269 = arith.cmpi slt, %add3A_267, %lt3A_268 : i32
        %convert_element_type3A_270 = arith.extui %lt3A_269 : i1 to i32
        %cond3A_271 = arith.constant 0 : i32
        %cond3A_272 = arith.cmpi ne, %convert_element_type3A_270, %cond3A_271 : i32
        scf.if %cond3A_272 {
          %add3A_286 = arith.constant 7 : i32
          %add3A_287 = arith.addi %add3A_242, %add3A_286 : i32
          %mul3A_288 = arith.constant 40 : i32
          %mul3A_289 = arith.muli %add3A_287, %mul3A_288 : i32
          %add3A_290 = arith.addi %mul3A_2, %mul3A_289 : i32
          %dma_start3A_291 = tpu.memref_slice %arg3[%add3A_290] : memref<640000xi32, #tpu.memory_space<hbm>> -> memref<40xi32, #tpu.memory_space<hbm>>
          %dma_start3A_292 = tpu.memref_slice %arg3[%add3A_290] : memref<640000xi32, #tpu.memory_space<hbm>> -> memref<40xi32, #tpu.memory_space<hbm>>
          tpu.enqueue_dma source(%dma_start3A_292 : memref<40xi32, #tpu.memory_space<hbm>>) target(%arg11 : memref<40xi32, #tpu.memory_space<vmem>>) target_semaphore(%arg39 : memref<!tpu.dma_semaphore, #tpu.memory_space<semaphore_mem>>)
          %add3A_293 = arith.constant 320000 : i32
          %add3A_294 = arith.addi %add3A_293, %mul3A_2 : i32
          %mul3A_295 = arith.constant 40 : i32
          %mul3A_296 = arith.muli %add3A_287, %mul3A_295 : i32
          %add3A_297 = arith.addi %add3A_294, %mul3A_296 : i32
          %dma_start3A_298 = tpu.memref_slice %arg3[%add3A_297] : memref<640000xi32, #tpu.memory_space<hbm>> -> memref<40xi32, #tpu.memory_space<hbm>>
          %dma_start3A_299 = tpu.memref_slice %arg3[%add3A_297] : memref<640000xi32, #tpu.memory_space<hbm>> -> memref<40xi32, #tpu.memory_space<hbm>>
          tpu.enqueue_dma source(%dma_start3A_299 : memref<40xi32, #tpu.memory_space<hbm>>) target(%arg20 : memref<40xi32, #tpu.memory_space<vmem>>) target_semaphore(%arg39 : memref<!tpu.dma_semaphore, #tpu.memory_space<semaphore_mem>>)
        } else {
        }
        %add3A_273 = arith.constant 5 : i32
        %add3A_274 = arith.addi %add3A_242, %add3A_273 : i32
        %lt3A_275 = arith.constant 250 : i32
        %lt3A_276 = arith.cmpi slt, %add3A_274, %lt3A_275 : i32
        %convert_element_type3A_277 = arith.extui %lt3A_276 : i1 to i32
        %cond3A_278 = arith.constant 0 : i32
        %cond3A_279 = arith.cmpi ne, %convert_element_type3A_277, %cond3A_278 : i32
        scf.if %cond3A_279 {
          %add3A_286 = arith.constant 5 : i32
          %add3A_287 = arith.addi %add3A_242, %add3A_286 : i32
          %mul3A_288 = arith.constant 40 : i32
          %mul3A_289 = arith.muli %add3A_287, %mul3A_288 : i32
          %add3A_290 = arith.addi %mul3A_2, %mul3A_289 : i32
          %dma_wait3A_291 = tpu.memref_slice %arg3[%add3A_290] : memref<640000xi32, #tpu.memory_space<hbm>> -> memref<40xi32, #tpu.memory_space<hbm>>
          %dma_wait3A_292 = tpu.memref_slice %arg3[%add3A_290] : memref<640000xi32, #tpu.memory_space<hbm>> -> memref<40xi32, #tpu.memory_space<hbm>>
          tpu.wait_dma2 semaphore(%arg37 : memref<!tpu.dma_semaphore, #tpu.memory_space<semaphore_mem>>) src(%dma_wait3A_292 : memref<40xi32, #tpu.memory_space<hbm>>) dst(%arg9 : memref<40xi32, #tpu.memory_space<vmem>>)
          %add3A_293 = arith.constant 320000 : i32
          %add3A_294 = arith.addi %add3A_293, %mul3A_2 : i32
          %mul3A_295 = arith.constant 40 : i32
          %mul3A_296 = arith.muli %add3A_287, %mul3A_295 : i32
          %add3A_297 = arith.addi %add3A_294, %mul3A_296 : i32
          %dma_wait3A_298 = tpu.memref_slice %arg3[%add3A_297] : memref<640000xi32, #tpu.memory_space<hbm>> -> memref<40xi32, #tpu.memory_space<hbm>>
          %dma_wait3A_299 = tpu.memref_slice %arg3[%add3A_297] : memref<640000xi32, #tpu.memory_space<hbm>> -> memref<40xi32, #tpu.memory_space<hbm>>
          tpu.wait_dma2 semaphore(%arg37 : memref<!tpu.dma_semaphore, #tpu.memory_space<semaphore_mem>>) src(%dma_wait3A_299 : memref<40xi32, #tpu.memory_space<hbm>>) dst(%arg18 : memref<40xi32, #tpu.memory_space<vmem>>)
          %dma_start3A_300 = arith.constant 0 : i32
          %dma_start3A_301 = arith.constant 0 : i32
          %dma_start3A_302 = tpu.memref_slice %arg2[%dma_start3A_300, %dma_start3A_301] : memref<10000x128xf32, #tpu.memory_space<hbm>> -> memref<10000x128xf32, #tpu.memory_space<hbm>>
          tpu.enqueue_indirect_dma source(%dma_start3A_302 : memref<10000x128xf32, #tpu.memory_space<hbm>>) target(%arg27 : memref<40x128xf32, #tpu.memory_space<vmem>>) offsets(%arg9 : memref<40xi32, #tpu.memory_space<vmem>>) semaphore(%arg46 : memref<!tpu.dma_semaphore, #tpu.memory_space<semaphore_mem>>)
        } else {
        }
        %dma_wait3A_280 = arith.constant 0 : i32
        %dma_wait3A_281 = arith.constant 0 : i32
        %dma_wait3A_282 = tpu.memref_slice %arg2[%dma_wait3A_280, %dma_wait3A_281] : memref<10000x128xf32, #tpu.memory_space<hbm>> -> memref<10000x128xf32, #tpu.memory_space<hbm>>
        tpu.wait_indirect_dma semaphore(%arg50 : memref<!tpu.dma_semaphore, #tpu.memory_space<semaphore_mem>>) src(%dma_wait3A_282 : memref<10000x128xf32, #tpu.memory_space<hbm>>) dst(%arg31 : memref<40x128xf32, #tpu.memory_space<vmem>>)
        %dma_start3A_283 = arith.constant 0 : i32
        %dma_start3A_284 = arith.constant 0 : i32
        %dma_start3A_285 = tpu.memref_slice %arg34[%dma_start3A_283, %dma_start3A_284] : memref<10000x128xf32, #tpu.memory_space<vmem_shared>> -> memref<10000x128xf32, #tpu.memory_space<vmem_shared>>
        tpu.enqueue_indirect_dma source(%arg31 : memref<40x128xf32, #tpu.memory_space<vmem>>) target(%dma_start3A_285 : memref<10000x128xf32, #tpu.memory_space<vmem_shared>>) offsets(%arg22 : memref<40xi32, #tpu.memory_space<vmem>>) semaphore(%arg59 : memref<!tpu.dma_semaphore, #tpu.memory_space<semaphore_mem>>) {add = true}
      } else {
      }
      %add3A_248 = arith.constant 7 : i32
      %add3A_249 = arith.addi %add3A_198, %add3A_248 : i32
      %lt3A_250 = arith.constant 250 : i32
      %lt3A_251 = arith.cmpi slt, %add3A_249, %lt3A_250 : i32
      %convert_element_type3A_252 = arith.extui %lt3A_251 : i1 to i32
      %cond3A_253 = arith.constant 0 : i32
      %cond3A_254 = arith.cmpi ne, %convert_element_type3A_252, %cond3A_253 : i32
      scf.if %cond3A_254 {
        %ge3A = arith.constant 2 : i32
        %ge3A_262 = arith.cmpi sge, %add3A_249, %ge3A : i32
        %convert_element_type3A_263 = arith.extui %ge3A_262 : i1 to i32
        %cond3A_264 = arith.constant 0 : i32
        %cond3A_265 = arith.cmpi ne, %convert_element_type3A_263, %cond3A_264 : i32
        scf.if %cond3A_265 {
          %dma_wait3A_286 = arith.constant 0 : i32
          %dma_wait3A_287 = arith.constant 0 : i32
          %dma_wait3A_288 = tpu.memref_slice %arg34[%dma_wait3A_286, %dma_wait3A_287] : memref<10000x128xf32, #tpu.memory_space<vmem_shared>> -> memref<10000x128xf32, #tpu.memory_space<vmem_shared>>
          tpu.wait_indirect_dma semaphore(%arg58 : memref<!tpu.dma_semaphore, #tpu.memory_space<semaphore_mem>>) src(%arg30 : memref<40x128xf32, #tpu.memory_space<vmem>>) dst(%dma_wait3A_288 : memref<10000x128xf32, #tpu.memory_space<vmem_shared>>)
        } else {
        }
        %add3A_266 = arith.constant 7 : i32
        %add3A_267 = arith.addi %add3A_249, %add3A_266 : i32
        %lt3A_268 = arith.constant 250 : i32
        %lt3A_269 = arith.cmpi slt, %add3A_267, %lt3A_268 : i32
        %convert_element_type3A_270 = arith.extui %lt3A_269 : i1 to i32
        %cond3A_271 = arith.constant 0 : i32
        %cond3A_272 = arith.cmpi ne, %convert_element_type3A_270, %cond3A_271 : i32
        scf.if %cond3A_272 {
          %add3A_286 = arith.constant 7 : i32
          %add3A_287 = arith.addi %add3A_249, %add3A_286 : i32
          %mul3A_288 = arith.constant 40 : i32
          %mul3A_289 = arith.muli %add3A_287, %mul3A_288 : i32
          %add3A_290 = arith.addi %mul3A_2, %mul3A_289 : i32
          %dma_start3A_291 = tpu.memref_slice %arg3[%add3A_290] : memref<640000xi32, #tpu.memory_space<hbm>> -> memref<40xi32, #tpu.memory_space<hbm>>
          %dma_start3A_292 = tpu.memref_slice %arg3[%add3A_290] : memref<640000xi32, #tpu.memory_space<hbm>> -> memref<40xi32, #tpu.memory_space<hbm>>
          tpu.enqueue_dma source(%dma_start3A_292 : memref<40xi32, #tpu.memory_space<hbm>>) target(%arg12 : memref<40xi32, #tpu.memory_space<vmem>>) target_semaphore(%arg40 : memref<!tpu.dma_semaphore, #tpu.memory_space<semaphore_mem>>)
          %add3A_293 = arith.constant 320000 : i32
          %add3A_294 = arith.addi %add3A_293, %mul3A_2 : i32
          %mul3A_295 = arith.constant 40 : i32
          %mul3A_296 = arith.muli %add3A_287, %mul3A_295 : i32
          %add3A_297 = arith.addi %add3A_294, %mul3A_296 : i32
          %dma_start3A_298 = tpu.memref_slice %arg3[%add3A_297] : memref<640000xi32, #tpu.memory_space<hbm>> -> memref<40xi32, #tpu.memory_space<hbm>>
          %dma_start3A_299 = tpu.memref_slice %arg3[%add3A_297] : memref<640000xi32, #tpu.memory_space<hbm>> -> memref<40xi32, #tpu.memory_space<hbm>>
          tpu.enqueue_dma source(%dma_start3A_299 : memref<40xi32, #tpu.memory_space<hbm>>) target(%arg21 : memref<40xi32, #tpu.memory_space<vmem>>) target_semaphore(%arg40 : memref<!tpu.dma_semaphore, #tpu.memory_space<semaphore_mem>>)
        } else {
        }
        %add3A_273 = arith.constant 5 : i32
        %add3A_274 = arith.addi %add3A_249, %add3A_273 : i32
        %lt3A_275 = arith.constant 250 : i32
        %lt3A_276 = arith.cmpi slt, %add3A_274, %lt3A_275 : i32
        %convert_element_type3A_277 = arith.extui %lt3A_276 : i1 to i32
        %cond3A_278 = arith.constant 0 : i32
        %cond3A_279 = arith.cmpi ne, %convert_element_type3A_277, %cond3A_278 : i32
        scf.if %cond3A_279 {
          %add3A_286 = arith.constant 5 : i32
          %add3A_287 = arith.addi %add3A_249, %add3A_286 : i32
          %mul3A_288 = arith.constant 40 : i32
          %mul3A_289 = arith.muli %add3A_287, %mul3A_288 : i32
          %add3A_290 = arith.addi %mul3A_2, %mul3A_289 : i32
          %dma_wait3A_291 = tpu.memref_slice %arg3[%add3A_290] : memref<640000xi32, #tpu.memory_space<hbm>> -> memref<40xi32, #tpu.memory_space<hbm>>
          %dma_wait3A_292 = tpu.memref_slice %arg3[%add3A_290] : memref<640000xi32, #tpu.memory_space<hbm>> -> memref<40xi32, #tpu.memory_space<hbm>>
          tpu.wait_dma2 semaphore(%arg38 : memref<!tpu.dma_semaphore, #tpu.memory_space<semaphore_mem>>) src(%dma_wait3A_292 : memref<40xi32, #tpu.memory_space<hbm>>) dst(%arg10 : memref<40xi32, #tpu.memory_space<vmem>>)
          %add3A_293 = arith.constant 320000 : i32
          %add3A_294 = arith.addi %add3A_293, %mul3A_2 : i32
          %mul3A_295 = arith.constant 40 : i32
          %mul3A_296 = arith.muli %add3A_287, %mul3A_295 : i32
          %add3A_297 = arith.addi %add3A_294, %mul3A_296 : i32
          %dma_wait3A_298 = tpu.memref_slice %arg3[%add3A_297] : memref<640000xi32, #tpu.memory_space<hbm>> -> memref<40xi32, #tpu.memory_space<hbm>>
          %dma_wait3A_299 = tpu.memref_slice %arg3[%add3A_297] : memref<640000xi32, #tpu.memory_space<hbm>> -> memref<40xi32, #tpu.memory_space<hbm>>
          tpu.wait_dma2 semaphore(%arg38 : memref<!tpu.dma_semaphore, #tpu.memory_space<semaphore_mem>>) src(%dma_wait3A_299 : memref<40xi32, #tpu.memory_space<hbm>>) dst(%arg19 : memref<40xi32, #tpu.memory_space<vmem>>)
          %dma_start3A_300 = arith.constant 0 : i32
          %dma_start3A_301 = arith.constant 0 : i32
          %dma_start3A_302 = tpu.memref_slice %arg2[%dma_start3A_300, %dma_start3A_301] : memref<10000x128xf32, #tpu.memory_space<hbm>> -> memref<10000x128xf32, #tpu.memory_space<hbm>>
          tpu.enqueue_indirect_dma source(%dma_start3A_302 : memref<10000x128xf32, #tpu.memory_space<hbm>>) target(%arg28 : memref<40x128xf32, #tpu.memory_space<vmem>>) offsets(%arg10 : memref<40xi32, #tpu.memory_space<vmem>>) semaphore(%arg47 : memref<!tpu.dma_semaphore, #tpu.memory_space<semaphore_mem>>)
        } else {
        }
        %dma_wait3A_280 = arith.constant 0 : i32
        %dma_wait3A_281 = arith.constant 0 : i32
        %dma_wait3A_282 = tpu.memref_slice %arg2[%dma_wait3A_280, %dma_wait3A_281] : memref<10000x128xf32, #tpu.memory_space<hbm>> -> memref<10000x128xf32, #tpu.memory_space<hbm>>
        tpu.wait_indirect_dma semaphore(%arg51 : memref<!tpu.dma_semaphore, #tpu.memory_space<semaphore_mem>>) src(%dma_wait3A_282 : memref<10000x128xf32, #tpu.memory_space<hbm>>) dst(%arg32 : memref<40x128xf32, #tpu.memory_space<vmem>>)
        %dma_start3A_283 = arith.constant 0 : i32
        %dma_start3A_284 = arith.constant 0 : i32
        %dma_start3A_285 = tpu.memref_slice %arg34[%dma_start3A_283, %dma_start3A_284] : memref<10000x128xf32, #tpu.memory_space<vmem_shared>> -> memref<10000x128xf32, #tpu.memory_space<vmem_shared>>
        tpu.enqueue_indirect_dma source(%arg32 : memref<40x128xf32, #tpu.memory_space<vmem>>) target(%dma_start3A_285 : memref<10000x128xf32, #tpu.memory_space<vmem_shared>>) offsets(%arg23 : memref<40xi32, #tpu.memory_space<vmem>>) semaphore(%arg60 : memref<!tpu.dma_semaphore, #tpu.memory_space<semaphore_mem>>) {add = true}
      } else {
      }
      %add3A_255 = arith.constant 8 : i32
      %add3A_256 = arith.addi %add3A_198, %add3A_255 : i32
      %lt3A_257 = arith.constant 250 : i32
      %lt3A_258 = arith.cmpi slt, %add3A_256, %lt3A_257 : i32
      %convert_element_type3A_259 = arith.extui %lt3A_258 : i1 to i32
      %cond3A_260 = arith.constant 0 : i32
      %cond3A_261 = arith.cmpi ne, %convert_element_type3A_259, %cond3A_260 : i32
      scf.if %cond3A_261 {
        %ge3A = arith.constant 2 : i32
        %ge3A_262 = arith.cmpi sge, %add3A_256, %ge3A : i32
        %convert_element_type3A_263 = arith.extui %ge3A_262 : i1 to i32
        %cond3A_264 = arith.constant 0 : i32
        %cond3A_265 = arith.cmpi ne, %convert_element_type3A_263, %cond3A_264 : i32
        scf.if %cond3A_265 {
          %dma_wait3A_286 = arith.constant 0 : i32
          %dma_wait3A_287 = arith.constant 0 : i32
          %dma_wait3A_288 = tpu.memref_slice %arg34[%dma_wait3A_286, %dma_wait3A_287] : memref<10000x128xf32, #tpu.memory_space<vmem_shared>> -> memref<10000x128xf32, #tpu.memory_space<vmem_shared>>
          tpu.wait_indirect_dma semaphore(%arg59 : memref<!tpu.dma_semaphore, #tpu.memory_space<semaphore_mem>>) src(%arg31 : memref<40x128xf32, #tpu.memory_space<vmem>>) dst(%dma_wait3A_288 : memref<10000x128xf32, #tpu.memory_space<vmem_shared>>)
        } else {
        }
        %add3A_266 = arith.constant 7 : i32
        %add3A_267 = arith.addi %add3A_256, %add3A_266 : i32
        %lt3A_268 = arith.constant 250 : i32
        %lt3A_269 = arith.cmpi slt, %add3A_267, %lt3A_268 : i32
        %convert_element_type3A_270 = arith.extui %lt3A_269 : i1 to i32
        %cond3A_271 = arith.constant 0 : i32
        %cond3A_272 = arith.cmpi ne, %convert_element_type3A_270, %cond3A_271 : i32
        scf.if %cond3A_272 {
          %add3A_286 = arith.constant 7 : i32
          %add3A_287 = arith.addi %add3A_256, %add3A_286 : i32
          %mul3A_288 = arith.constant 40 : i32
          %mul3A_289 = arith.muli %add3A_287, %mul3A_288 : i32
          %add3A_290 = arith.addi %mul3A_2, %mul3A_289 : i32
          %dma_start3A_291 = tpu.memref_slice %arg3[%add3A_290] : memref<640000xi32, #tpu.memory_space<hbm>> -> memref<40xi32, #tpu.memory_space<hbm>>
          %dma_start3A_292 = tpu.memref_slice %arg3[%add3A_290] : memref<640000xi32, #tpu.memory_space<hbm>> -> memref<40xi32, #tpu.memory_space<hbm>>
          tpu.enqueue_dma source(%dma_start3A_292 : memref<40xi32, #tpu.memory_space<hbm>>) target(%arg13 : memref<40xi32, #tpu.memory_space<vmem>>) target_semaphore(%arg41 : memref<!tpu.dma_semaphore, #tpu.memory_space<semaphore_mem>>)
          %add3A_293 = arith.constant 320000 : i32
          %add3A_294 = arith.addi %add3A_293, %mul3A_2 : i32
          %mul3A_295 = arith.constant 40 : i32
          %mul3A_296 = arith.muli %add3A_287, %mul3A_295 : i32
          %add3A_297 = arith.addi %add3A_294, %mul3A_296 : i32
          %dma_start3A_298 = tpu.memref_slice %arg3[%add3A_297] : memref<640000xi32, #tpu.memory_space<hbm>> -> memref<40xi32, #tpu.memory_space<hbm>>
          %dma_start3A_299 = tpu.memref_slice %arg3[%add3A_297] : memref<640000xi32, #tpu.memory_space<hbm>> -> memref<40xi32, #tpu.memory_space<hbm>>
          tpu.enqueue_dma source(%dma_start3A_299 : memref<40xi32, #tpu.memory_space<hbm>>) target(%arg22 : memref<40xi32, #tpu.memory_space<vmem>>) target_semaphore(%arg41 : memref<!tpu.dma_semaphore, #tpu.memory_space<semaphore_mem>>)
        } else {
        }
        %add3A_273 = arith.constant 5 : i32
        %add3A_274 = arith.addi %add3A_256, %add3A_273 : i32
        %lt3A_275 = arith.constant 250 : i32
        %lt3A_276 = arith.cmpi slt, %add3A_274, %lt3A_275 : i32
        %convert_element_type3A_277 = arith.extui %lt3A_276 : i1 to i32
        %cond3A_278 = arith.constant 0 : i32
        %cond3A_279 = arith.cmpi ne, %convert_element_type3A_277, %cond3A_278 : i32
        scf.if %cond3A_279 {
          %add3A_286 = arith.constant 5 : i32
          %add3A_287 = arith.addi %add3A_256, %add3A_286 : i32
          %mul3A_288 = arith.constant 40 : i32
          %mul3A_289 = arith.muli %add3A_287, %mul3A_288 : i32
          %add3A_290 = arith.addi %mul3A_2, %mul3A_289 : i32
          %dma_wait3A_291 = tpu.memref_slice %arg3[%add3A_290] : memref<640000xi32, #tpu.memory_space<hbm>> -> memref<40xi32, #tpu.memory_space<hbm>>
          %dma_wait3A_292 = tpu.memref_slice %arg3[%add3A_290] : memref<640000xi32, #tpu.memory_space<hbm>> -> memref<40xi32, #tpu.memory_space<hbm>>
          tpu.wait_dma2 semaphore(%arg39 : memref<!tpu.dma_semaphore, #tpu.memory_space<semaphore_mem>>) src(%dma_wait3A_292 : memref<40xi32, #tpu.memory_space<hbm>>) dst(%arg11 : memref<40xi32, #tpu.memory_space<vmem>>)
          %add3A_293 = arith.constant 320000 : i32
          %add3A_294 = arith.addi %add3A_293, %mul3A_2 : i32
          %mul3A_295 = arith.constant 40 : i32
          %mul3A_296 = arith.muli %add3A_287, %mul3A_295 : i32
          %add3A_297 = arith.addi %add3A_294, %mul3A_296 : i32
          %dma_wait3A_298 = tpu.memref_slice %arg3[%add3A_297] : memref<640000xi32, #tpu.memory_space<hbm>> -> memref<40xi32, #tpu.memory_space<hbm>>
          %dma_wait3A_299 = tpu.memref_slice %arg3[%add3A_297] : memref<640000xi32, #tpu.memory_space<hbm>> -> memref<40xi32, #tpu.memory_space<hbm>>
          tpu.wait_dma2 semaphore(%arg39 : memref<!tpu.dma_semaphore, #tpu.memory_space<semaphore_mem>>) src(%dma_wait3A_299 : memref<40xi32, #tpu.memory_space<hbm>>) dst(%arg20 : memref<40xi32, #tpu.memory_space<vmem>>)
          %dma_start3A_300 = arith.constant 0 : i32
          %dma_start3A_301 = arith.constant 0 : i32
          %dma_start3A_302 = tpu.memref_slice %arg2[%dma_start3A_300, %dma_start3A_301] : memref<10000x128xf32, #tpu.memory_space<hbm>> -> memref<10000x128xf32, #tpu.memory_space<hbm>>
          tpu.enqueue_indirect_dma source(%dma_start3A_302 : memref<10000x128xf32, #tpu.memory_space<hbm>>) target(%arg29 : memref<40x128xf32, #tpu.memory_space<vmem>>) offsets(%arg11 : memref<40xi32, #tpu.memory_space<vmem>>) semaphore(%arg48 : memref<!tpu.dma_semaphore, #tpu.memory_space<semaphore_mem>>)
        } else {
        }
        %dma_wait3A_280 = arith.constant 0 : i32
        %dma_wait3A_281 = arith.constant 0 : i32
        %dma_wait3A_282 = tpu.memref_slice %arg2[%dma_wait3A_280, %dma_wait3A_281] : memref<10000x128xf32, #tpu.memory_space<hbm>> -> memref<10000x128xf32, #tpu.memory_space<hbm>>
        tpu.wait_indirect_dma semaphore(%arg52 : memref<!tpu.dma_semaphore, #tpu.memory_space<semaphore_mem>>) src(%dma_wait3A_282 : memref<10000x128xf32, #tpu.memory_space<hbm>>) dst(%arg33 : memref<40x128xf32, #tpu.memory_space<vmem>>)
        %dma_start3A_283 = arith.constant 0 : i32
        %dma_start3A_284 = arith.constant 0 : i32
        %dma_start3A_285 = tpu.memref_slice %arg34[%dma_start3A_283, %dma_start3A_284] : memref<10000x128xf32, #tpu.memory_space<vmem_shared>> -> memref<10000x128xf32, #tpu.memory_space<vmem_shared>>
        tpu.enqueue_indirect_dma source(%arg33 : memref<40x128xf32, #tpu.memory_space<vmem>>) target(%dma_start3A_285 : memref<10000x128xf32, #tpu.memory_space<vmem_shared>>) offsets(%arg24 : memref<40xi32, #tpu.memory_space<vmem>>) semaphore(%arg61 : memref<!tpu.dma_semaphore, #tpu.memory_space<semaphore_mem>>) {add = true}
      } else {
      }
    }
    %scan3A_155 = arith.constant 28 : i32
    %dma_wait3A_156 = arith.constant 0 : i32
    %dma_wait3A_157 = arith.constant 0 : i32
    %dma_wait3A_158 = tpu.memref_slice %arg34[%dma_wait3A_156, %dma_wait3A_157] : memref<10000x128xf32, #tpu.memory_space<vmem_shared>> -> memref<10000x128xf32, #tpu.memory_space<vmem_shared>>
    tpu.wait_indirect_dma semaphore(%arg58 : memref<!tpu.dma_semaphore, #tpu.memory_space<semaphore_mem>>) src(%arg30 : memref<40x128xf32, #tpu.memory_space<vmem>>) dst(%dma_wait3A_158 : memref<10000x128xf32, #tpu.memory_space<vmem_shared>>)
    %dma_wait3A_159 = arith.constant 0 : i32
    %dma_wait3A_160 = arith.constant 0 : i32
    %dma_wait3A_161 = tpu.memref_slice %arg34[%dma_wait3A_159, %dma_wait3A_160] : memref<10000x128xf32, #tpu.memory_space<vmem_shared>> -> memref<10000x128xf32, #tpu.memory_space<vmem_shared>>
    tpu.wait_indirect_dma semaphore(%arg59 : memref<!tpu.dma_semaphore, #tpu.memory_space<semaphore_mem>>) src(%arg31 : memref<40x128xf32, #tpu.memory_space<vmem>>) dst(%dma_wait3A_161 : memref<10000x128xf32, #tpu.memory_space<vmem_shared>>)
    %barrier3A_162 = arith.constant 0 : index
    tpu.barrier barrier_id(%barrier3A_162)
    %lt3A_163 = arith.constant 15 : i32
    %lt3A_164 = arith.cmpi slt, %arg1, %lt3A_163 : i32
    %eq3A_165 = arith.constant 0 : i32
    %eq3A_166 = arith.cmpi eq, %arg0, %eq3A_165 : i32
    %and3A = arith.andi %lt3A_164, %eq3A_166 : i1
    %convert_element_type3A_167 = arith.extui %and3A : i1 to i32
    %cond3A_168 = arith.constant 0 : i32
    %cond3A_169 = arith.cmpi ne, %convert_element_type3A_167, %cond3A_168 : i32
    scf.if %cond3A_169 {
      %mul3A_194 = arith.constant 624 : i32
      %mul3A_195 = arith.muli %arg1, %mul3A_194 : i32
      %mul3A_196 = arith.constant 624 : i32
      %mul3A_197 = arith.muli %arg1, %mul3A_196 : i32
      "tpu.region"() ({
        %run_scoped3A = tpu.sem_alloc : memref<!tpu.dma_semaphore, #tpu.memory_space<semaphore_mem>>
        %dma_start3A_198 = arith.constant 0 : i32
        %dma_start3A_199 = tpu.memref_slice %arg5[%mul3A_197, %dma_start3A_198] : memref<10000x128xf32, #tpu.memory_space<hbm>> -> memref<624x128xf32, #tpu.memory_space<hbm>>
        %dma_start3A_200 = arith.constant 0 : i32
        %dma_start3A_201 = tpu.memref_slice %arg34[%mul3A_195, %dma_start3A_200] : memref<10000x128xf32, #tpu.memory_space<vmem_shared>> -> memref<624x128xf32, #tpu.memory_space<vmem_shared>>
        tpu.enqueue_dma source(%dma_start3A_201 : memref<624x128xf32, #tpu.memory_space<vmem_shared>>) target(%dma_start3A_199 : memref<624x128xf32, #tpu.memory_space<hbm>>) target_semaphore(%run_scoped3A : memref<!tpu.dma_semaphore, #tpu.memory_space<semaphore_mem>>)
        %dma_wait3A_202 = arith.constant 0 : i32
        %dma_wait3A_203 = tpu.memref_slice %arg5[%mul3A_197, %dma_wait3A_202] : memref<10000x128xf32, #tpu.memory_space<hbm>> -> memref<624x128xf32, #tpu.memory_space<hbm>>
        %dma_wait3A_204 = arith.constant 0 : i32
        %dma_wait3A_205 = tpu.memref_slice %arg34[%mul3A_195, %dma_wait3A_204] : memref<10000x128xf32, #tpu.memory_space<vmem_shared>> -> memref<624x128xf32, #tpu.memory_space<vmem_shared>>
        tpu.wait_dma2 semaphore(%run_scoped3A : memref<!tpu.dma_semaphore, #tpu.memory_space<semaphore_mem>>) src(%dma_wait3A_205 : memref<624x128xf32, #tpu.memory_space<vmem_shared>>) dst(%dma_wait3A_203 : memref<624x128xf32, #tpu.memory_space<hbm>>)
        tpu.yield
      }) : () -> ()
    } else {
    }
    %eq3A_170 = arith.constant 15 : i32
    %eq3A_171 = arith.cmpi eq, %arg1, %eq3A_170 : i32
    %eq3A_172 = arith.constant 0 : i32
    %eq3A_173 = arith.cmpi eq, %arg0, %eq3A_172 : i32
    %and3A_174 = arith.andi %eq3A_171, %eq3A_173 : i1
    %convert_element_type3A_175 = arith.extui %and3A_174 : i1 to i32
    %cond3A_176 = arith.constant 0 : i32
    %cond3A_177 = arith.cmpi ne, %convert_element_type3A_175, %cond3A_176 : i32
    scf.if %cond3A_177 {
      "tpu.region"() ({
        %run_scoped3A = tpu.sem_alloc : memref<!tpu.dma_semaphore, #tpu.memory_space<semaphore_mem>>
        %dma_start3A_194 = arith.constant 9360 : i32
        %dma_start3A_195 = arith.constant 0 : i32
        %dma_start3A_196 = tpu.memref_slice %arg5[%dma_start3A_194, %dma_start3A_195] : memref<10000x128xf32, #tpu.memory_space<hbm>> -> memref<640x128xf32, #tpu.memory_space<hbm>>
        %dma_start3A_197 = arith.constant 9360 : i32
        %dma_start3A_198 = arith.constant 0 : i32
        %dma_start3A_199 = tpu.memref_slice %arg34[%dma_start3A_197, %dma_start3A_198] : memref<10000x128xf32, #tpu.memory_space<vmem_shared>> -> memref<640x128xf32, #tpu.memory_space<vmem_shared>>
        tpu.enqueue_dma source(%dma_start3A_199 : memref<640x128xf32, #tpu.memory_space<vmem_shared>>) target(%dma_start3A_196 : memref<640x128xf32, #tpu.memory_space<hbm>>) target_semaphore(%run_scoped3A : memref<!tpu.dma_semaphore, #tpu.memory_space<semaphore_mem>>)
        %dma_wait3A_200 = arith.constant 9360 : i32
        %dma_wait3A_201 = arith.constant 0 : i32
        %dma_wait3A_202 = tpu.memref_slice %arg5[%dma_wait3A_200, %dma_wait3A_201] : memref<10000x128xf32, #tpu.memory_space<hbm>> -> memref<640x128xf32, #tpu.memory_space<hbm>>
        %dma_wait3A_203 = arith.constant 9360 : i32
        %dma_wait3A_204 = arith.constant 0 : i32
        %dma_wait3A_205 = tpu.memref_slice %arg34[%dma_wait3A_203, %dma_wait3A_204] : memref<10000x128xf32, #tpu.memory_space<vmem_shared>> -> memref<640x128xf32, #tpu.memory_space<vmem_shared>>
        tpu.wait_dma2 semaphore(%run_scoped3A : memref<!tpu.dma_semaphore, #tpu.memory_space<semaphore_mem>>) src(%dma_wait3A_205 : memref<640x128xf32, #tpu.memory_space<vmem_shared>>) dst(%dma_wait3A_202 : memref<640x128xf32, #tpu.memory_space<hbm>>)
        tpu.yield
      }) : () -> ()
    } else {
    }
    %lt3A_178 = arith.constant 15 : i32
    %lt3A_179 = arith.cmpi slt, %arg1, %lt3A_178 : i32
    %eq3A_180 = arith.constant 1 : i32
    %eq3A_181 = arith.cmpi eq, %arg0, %eq3A_180 : i32
    %and3A_182 = arith.andi %lt3A_179, %eq3A_181 : i1
    %convert_element_type3A_183 = arith.extui %and3A_182 : i1 to i32
    %cond3A_184 = arith.constant 0 : i32
    %cond3A_185 = arith.cmpi ne, %convert_element_type3A_183, %cond3A_184 : i32
    scf.if %cond3A_185 {
      %mul3A_194 = arith.constant 624 : i32
      %mul3A_195 = arith.muli %arg1, %mul3A_194 : i32
      %mul3A_196 = arith.constant 624 : i32
      %mul3A_197 = arith.muli %arg1, %mul3A_196 : i32
      "tpu.region"() ({
        %run_scoped3A = tpu.sem_alloc : memref<!tpu.dma_semaphore, #tpu.memory_space<semaphore_mem>>
        %dma_start3A_198 = arith.constant 0 : i32
        %dma_start3A_199 = tpu.memref_slice %arg6[%mul3A_197, %dma_start3A_198] : memref<10000x128xf32, #tpu.memory_space<hbm>> -> memref<624x128xf32, #tpu.memory_space<hbm>>
        %dma_start3A_200 = arith.constant 0 : i32
        %dma_start3A_201 = tpu.memref_slice %arg34[%mul3A_195, %dma_start3A_200] : memref<10000x128xf32, #tpu.memory_space<vmem_shared>> -> memref<624x128xf32, #tpu.memory_space<vmem_shared>>
        tpu.enqueue_dma source(%dma_start3A_201 : memref<624x128xf32, #tpu.memory_space<vmem_shared>>) target(%dma_start3A_199 : memref<624x128xf32, #tpu.memory_space<hbm>>) target_semaphore(%run_scoped3A : memref<!tpu.dma_semaphore, #tpu.memory_space<semaphore_mem>>)
        %dma_wait3A_202 = arith.constant 0 : i32
        %dma_wait3A_203 = tpu.memref_slice %arg6[%mul3A_197, %dma_wait3A_202] : memref<10000x128xf32, #tpu.memory_space<hbm>> -> memref<624x128xf32, #tpu.memory_space<hbm>>
        %dma_wait3A_204 = arith.constant 0 : i32
        %dma_wait3A_205 = tpu.memref_slice %arg34[%mul3A_195, %dma_wait3A_204] : memref<10000x128xf32, #tpu.memory_space<vmem_shared>> -> memref<624x128xf32, #tpu.memory_space<vmem_shared>>
        tpu.wait_dma2 semaphore(%run_scoped3A : memref<!tpu.dma_semaphore, #tpu.memory_space<semaphore_mem>>) src(%dma_wait3A_205 : memref<624x128xf32, #tpu.memory_space<vmem_shared>>) dst(%dma_wait3A_203 : memref<624x128xf32, #tpu.memory_space<hbm>>)
        tpu.yield
      }) : () -> ()
    } else {
    }
    %eq3A_186 = arith.constant 15 : i32
    %eq3A_187 = arith.cmpi eq, %arg1, %eq3A_186 : i32
    %eq3A_188 = arith.constant 1 : i32
    %eq3A_189 = arith.cmpi eq, %arg0, %eq3A_188 : i32
    %and3A_190 = arith.andi %eq3A_187, %eq3A_189 : i1
    %convert_element_type3A_191 = arith.extui %and3A_190 : i1 to i32
    %cond3A_192 = arith.constant 0 : i32
    %cond3A_193 = arith.cmpi ne, %convert_element_type3A_191, %cond3A_192 : i32
    scf.if %cond3A_193 {
      "tpu.region"() ({
        %run_scoped3A = tpu.sem_alloc : memref<!tpu.dma_semaphore, #tpu.memory_space<semaphore_mem>>
        %dma_start3A_194 = arith.constant 9360 : i32
        %dma_start3A_195 = arith.constant 0 : i32
        %dma_start3A_196 = tpu.memref_slice %arg6[%dma_start3A_194, %dma_start3A_195] : memref<10000x128xf32, #tpu.memory_space<hbm>> -> memref<640x128xf32, #tpu.memory_space<hbm>>
        %dma_start3A_197 = arith.constant 9360 : i32
        %dma_start3A_198 = arith.constant 0 : i32
        %dma_start3A_199 = tpu.memref_slice %arg34[%dma_start3A_197, %dma_start3A_198] : memref<10000x128xf32, #tpu.memory_space<vmem_shared>> -> memref<640x128xf32, #tpu.memory_space<vmem_shared>>
        tpu.enqueue_dma source(%dma_start3A_199 : memref<640x128xf32, #tpu.memory_space<vmem_shared>>) target(%dma_start3A_196 : memref<640x128xf32, #tpu.memory_space<hbm>>) target_semaphore(%run_scoped3A : memref<!tpu.dma_semaphore, #tpu.memory_space<semaphore_mem>>)
        %dma_wait3A_200 = arith.constant 9360 : i32
        %dma_wait3A_201 = arith.constant 0 : i32
        %dma_wait3A_202 = tpu.memref_slice %arg6[%dma_wait3A_200, %dma_wait3A_201] : memref<10000x128xf32, #tpu.memory_space<hbm>> -> memref<640x128xf32, #tpu.memory_space<hbm>>
        %dma_wait3A_203 = arith.constant 9360 : i32
        %dma_wait3A_204 = arith.constant 0 : i32
        %dma_wait3A_205 = tpu.memref_slice %arg34[%dma_wait3A_203, %dma_wait3A_204] : memref<10000x128xf32, #tpu.memory_space<vmem_shared>> -> memref<640x128xf32, #tpu.memory_space<vmem_shared>>
        tpu.wait_dma2 semaphore(%run_scoped3A : memref<!tpu.dma_semaphore, #tpu.memory_space<semaphore_mem>>) src(%dma_wait3A_205 : memref<640x128xf32, #tpu.memory_space<vmem_shared>>) dst(%dma_wait3A_202 : memref<640x128xf32, #tpu.memory_space<hbm>>)
        tpu.yield
      }) : () -> ()
    } else {
    }
    return
  }
}

module attributes {stable_mosaic.version = 14 : i64} {
  func.func @_mlp_body(%arg0: i32, %arg1: memref<1x1xf32, #tpu.memory_space<smem>>, %arg2: memref<2000x128xf32, #tpu.memory_space<vmem>>, %arg3: memref<2000x128xf32, #tpu.memory_space<vmem>>, %arg4: memref<2000x128xf32, #tpu.memory_space<vmem>>, %arg5: memref<128x128xf32, #tpu.memory_space<vmem>>, %arg6: memref<1x128xf32, #tpu.memory_space<vmem>>, %arg7: memref<128x128xf32, #tpu.memory_space<vmem>>, %arg8: memref<1x128xf32, #tpu.memory_space<vmem>>, %arg9: memref<2000x128xf32, #tpu.memory_space<vmem>>) attributes {dimension_semantics = [#tpu.dimension_semantics<parallel>], iteration_bounds = array<i64: 5>, scalar_prefetch = 0 : i64, scratch_operands = 0 : i64, tpu.core_type = #tpu.core_type<tc>, window_params = [{transform_indices = @transform_0, window_bounds = array<i64: 1, 1>}, {transform_indices = @transform_1, window_bounds = array<i64: 2000, 128>}, {transform_indices = @transform_2, window_bounds = array<i64: 2000, 128>}, {transform_indices = @transform_3, window_bounds = array<i64: 2000, 128>}, {pipeline_mode = #tpu.pipeline_mode<synchronous>, transform_indices = @transform_4, window_bounds = array<i64: 128, 128>}, {pipeline_mode = #tpu.pipeline_mode<synchronous>, transform_indices = @transform_5, window_bounds = array<i64: 1, 128>}, {pipeline_mode = #tpu.pipeline_mode<synchronous>, transform_indices = @transform_6, window_bounds = array<i64: 128, 128>}, {pipeline_mode = #tpu.pipeline_mode<synchronous>, transform_indices = @transform_7, window_bounds = array<i64: 1, 128>}, {transform_indices = @transform_8, window_bounds = array<i64: 2000, 128>}]} {
    %get3A = arith.constant 0 : index
    %get3A_0 = arith.constant 0 : index
    %get3A_1 = memref.load %arg1[%get3A, %get3A_0] : memref<1x1xf32, #tpu.memory_space<smem>>
    %get3A_2 = arith.constant 0 : index
    %get3A_3 = arith.constant 0 : index
    %get3A_4 = vector.load %arg2[%get3A_2, %get3A_3] : memref<2000x128xf32, #tpu.memory_space<vmem>>, vector<2000x128xf32>
    %mul3A = vector.broadcast %get3A_1 : f32 to vector<2000x128xf32>
    %mul3A_5 = arith.mulf %mul3A, %get3A_4 : vector<2000x128xf32>
    %get3A_6 = arith.constant 0 : index
    %get3A_7 = arith.constant 0 : index
    %get3A_8 = vector.load %arg3[%get3A_6, %get3A_7] : memref<2000x128xf32, #tpu.memory_space<vmem>>, vector<2000x128xf32>
    %add3A = arith.addf %mul3A_5, %get3A_8 : vector<2000x128xf32>
    %get3A_9 = arith.constant 0 : index
    %get3A_10 = arith.constant 0 : index
    %get3A_11 = vector.load %arg4[%get3A_9, %get3A_10] : memref<2000x128xf32, #tpu.memory_space<vmem>>, vector<2000x128xf32>
    %add3A_12 = arith.addf %add3A, %get3A_11 : vector<2000x128xf32>
    %get3A_13 = arith.constant 0 : index
    %get3A_14 = arith.constant 0 : index
    %get3A_15 = vector.load %arg5[%get3A_13, %get3A_14] : memref<128x128xf32, #tpu.memory_space<vmem>>, vector<128x128xf32>
    %dot_general3A = arith.constant dense<0.000000e+00> : vector<2000x128xf32>
    %dot_general3A_16 = tpu.matmul %add3A_12, %get3A_15, %dot_general3A {dimension_numbers = #tpu.dot_dimension_numbers<[1], [1], [0], [0], [0, 0, 1, 0], [], []>, transpose_lhs_hint = false} : vector<2000x128xf32>, vector<128x128xf32>, vector<2000x128xf32> -> vector<2000x128xf32>
    %get3A_17 = arith.constant 0 : index
    %get3A_18 = arith.constant 0 : index
    %get3A_19 = vector.load %arg6[%get3A_17, %get3A_18] : memref<1x128xf32, #tpu.memory_space<vmem>>, vector<1x128xf32>
    %add3A_20 = vector.broadcast %get3A_19 : vector<1x128xf32> to vector<2000x128xf32>
    %add3A_21 = arith.addf %dot_general3A_16, %add3A_20 : vector<2000x128xf32>
    %max3A = arith.constant 0.000000e+00 : f32
    %max3A_22 = vector.broadcast %max3A : f32 to vector<2000x128xf32>
    %max3A_23 = arith.maximumf %add3A_21, %max3A_22 : vector<2000x128xf32>
    %get3A_24 = arith.constant 0 : index
    %get3A_25 = arith.constant 0 : index
    %get3A_26 = vector.load %arg7[%get3A_24, %get3A_25] : memref<128x128xf32, #tpu.memory_space<vmem>>, vector<128x128xf32>
    %dot_general3A_27 = arith.constant dense<0.000000e+00> : vector<2000x128xf32>
    %dot_general3A_28 = tpu.matmul %max3A_23, %get3A_26, %dot_general3A_27 {dimension_numbers = #tpu.dot_dimension_numbers<[1], [1], [0], [0], [0, 0, 1, 0], [], []>, transpose_lhs_hint = false} : vector<2000x128xf32>, vector<128x128xf32>, vector<2000x128xf32> -> vector<2000x128xf32>
    %get3A_29 = arith.constant 0 : index
    %get3A_30 = arith.constant 0 : index
    %get3A_31 = vector.load %arg8[%get3A_29, %get3A_30] : memref<1x128xf32, #tpu.memory_space<vmem>>, vector<1x128xf32>
    %add3A_32 = vector.broadcast %get3A_31 : vector<1x128xf32> to vector<2000x128xf32>
    %add3A_33 = arith.addf %dot_general3A_28, %add3A_32 : vector<2000x128xf32>
    %swap3A = arith.constant 0 : index
    %swap3A_34 = arith.constant 0 : index
    %swap3A_35 = vector.load %arg9[%swap3A, %swap3A_34] : memref<2000x128xf32, #tpu.memory_space<vmem>>, vector<2000x128xf32>
    tpu.vector_store %arg9[%swap3A, %swap3A_34], %add3A_33 {strides = array<i32>} : memref<2000x128xf32, #tpu.memory_space<vmem>>, vector<2000x128xf32>,
    return
  }
  func.func @transform_0(%arg0: i32) -> (i32, i32) {
    %c0_i32 = arith.constant 0 : i32
    %c0_i32_0 = arith.constant 0 : i32
    %c0_i32_1 = arith.constant 0 : i32
    return %c0_i32, %c0_i32_0 : i32, i32
  }
  func.func @transform_1(%arg0: i32) -> (i32, i32) {
    %c0_i32 = arith.constant 0 : i32
    %c0_i32_0 = arith.constant 0 : i32
    return %arg0, %c0_i32 : i32, i32
  }
  func.func @transform_2(%arg0: i32) -> (i32, i32) {
    %c0_i32 = arith.constant 0 : i32
    %c0_i32_0 = arith.constant 0 : i32
    return %arg0, %c0_i32 : i32, i32
  }
  func.func @transform_3(%arg0: i32) -> (i32, i32) {
    %c0_i32 = arith.constant 0 : i32
    %c0_i32_0 = arith.constant 0 : i32
    return %arg0, %c0_i32 : i32, i32
  }
  func.func @transform_4(%arg0: i32) -> (i32, i32) {
    %c0_i32 = arith.constant 0 : i32
    %c0_i32_0 = arith.constant 0 : i32
    %c0_i32_1 = arith.constant 0 : i32
    return %c0_i32, %c0_i32_0 : i32, i32
  }
  func.func @transform_5(%arg0: i32) -> (i32, i32) {
    %c0_i32 = arith.constant 0 : i32
    %c0_i32_0 = arith.constant 0 : i32
    %c0_i32_1 = arith.constant 0 : i32
    return %c0_i32, %c0_i32_0 : i32, i32
  }
  func.func @transform_6(%arg0: i32) -> (i32, i32) {
    %c0_i32 = arith.constant 0 : i32
    %c0_i32_0 = arith.constant 0 : i32
    %c0_i32_1 = arith.constant 0 : i32
    return %c0_i32, %c0_i32_0 : i32, i32
  }
  func.func @transform_7(%arg0: i32) -> (i32, i32) {
    %c0_i32 = arith.constant 0 : i32
    %c0_i32_0 = arith.constant 0 : i32
    %c0_i32_1 = arith.constant 0 : i32
    return %c0_i32, %c0_i32_0 : i32, i32
  }
  func.func @transform_8(%arg0: i32) -> (i32, i32) {
    %c0_i32 = arith.constant 0 : i32
    %c0_i32_0 = arith.constant 0 : i32
    return %arg0, %c0_i32 : i32, i32
  }
}

</mosaic_0001>

<sc_bundles>
// kernel: kernel.4.cloned.1.call-start
scs
__scs_entry_jumppad:
0x0: {  	(pc) =	sbr.rel $0x88, $3  }
0x1: {  	(tag) =	ssettag $0x0;
	lr =	simm.s32 $0x1  }
0x2: {  	[smem:$0x3F9A] =	sst lr;
	_ =	strace $0xD0000000  }
0x3: {  	_ = 	snop  }
0x4: {  	_ = 	snop  }
0x5: {  	_ = 	snop  }
0x6: {  	_ = 	snop  }
0x7: {  	_ = 	snop  }
__scs_overlays_trampoline_lowered:
0x8: {  	[smem:$0x3FA9] =	sst s0  }
0x9: {  	[smem:$0x3FAA] =	sst s1  }
0xa: {  	[smem:$0x3FAB] =	sst s2  }
0xb: {  	[smem:$0x3FAC] =	sst s3  }
0xc: {  	[smem:$0x3FAD] =	sst s4  }
0xd: {  	[smem:$0x3FAE] =	sst s5  }
0xe: {  	[smem:$0x3FAF] =	sst s6  }
0xf: {  	[smem:$0x3FB0] =	sst s7  }
0x10: {  	[smem:$0x3FB1] =	sst s8  }
0x11: {  	[smem:$0x3FB2] =	sst s9;
	s0 =	simm.s32 @!p0 $0x0  }
0x12: {  	s1 =	sld [smem:$0x3F98];
	s0 =	simm.s32 @p0 $0x1  }
0x13: {  	[smem:$0x3FB3] =	sst s0;
	s0 =	simm.s32 @!p1 $0x0  }
0x14: {  	s2 =	sld [smem:$0x3F97];
	s0 =	simm.s32 @p1 $0x1  }
0x15: {  	[smem:$0x3FB4] =	sst s0;
	s0 =	simm.s32 @!p2 $0x0  }
0x16: {  	s3 =	sld [smem:$0x3FDB];
	s0 =	simm.s32 @p2 $0x1  }
0x17: {  	s4 =	simm.s32 $0x1BF5;
	[smem:$0x3FB6] =	sst s0  }
0x18: {  	s0 =	sld [smem:$0x3F99];
	_ =	swait.ge [sflag:s4], $0x0  }
0x19: {  	s7 =	sld [smem:$0x3F9A]  }
0x1a: {  	s8 =	sadd.s32 $0xFFFFE003, lr  }
0x1b: {  	s9 =	sadd.s32 $0xFFFFFEF7, lr;
	s5 =	simm.s32 $0xFFFFFFFF;
	p2 =	slt.u32 s8, $0xFFFFF086  }
0x1c: {  	p1 =	slt.u32 s9, $0xF7A;
	s5 =	simm.s32 @!p2 $0x0  }
0x1d: {  	s5 =	simm.s32 @p1 $0x1;
	p0 =	seq.s32 s7, s2  }
0x1e: {  	s7 =	smul.u32 @!p0 $0xF7A, s2;
	p2 =	seq.s32 @!p0 s5, $0x0  }
0x1f: {  	s9 =	smul.u32 $0xF7A, s1;
	s8 =	simm.s32 @!p0 $0x1BF5;
	p2 =	por !p2, p0  }
0x20: {  	[sflag:s8] =	ssyncset.s32 @!p0 $0xFFFFF086;
	s6 =	sadd.s32 @!p0 s3, s7;
	s7 =	simm.s32 @!p0 $0x108  }
0x21: {  	s3 =	sadd.s32 s3, s9;
	s6 =	sadd.s32 @!p0 $0x88, s6;
	s7 =	simm.s32 @p2 $0x1082  }
0x22: {  	[simem:s7], [sflag:s8] =	dma.local @!p0 [hbm:s6], $0xF7A  }
0x23: {  	s9 =	sor.u32 $0xD0000000, s2;
	s6 =	simm.s32 $0x108;
	_ =	swait.ge @!p0 [sflag:s8], $0x0  }
0x24: {  	s3 =	sadd.s32 $0x88, s3;
	s6 =	simm.s32 @!p1 $0x1082;
	[sflag:s4] =	ssyncset.s32 $0xFFFFF086  }
0x25: {  	[simem:s6], [sflag:s4] =	dma.local [hbm:s3], $0xF7A  }
0x26: {  	[smem:$0x3F9A] =	sst s1;
	(tag) =	ssettag s2;
	_ =	strace s9  }
0x27: {  	s1 =	sld [smem:$0x3FAA]  }
0x28: {  	s2 =	sld [smem:$0x3FAB]  }
0x29: {  	s4 =	sld [smem:$0x3FAD]  }
0x2a: {  	p0 =	seq.s32 s5, $0x0;
	s5 =	sld [smem:$0x3FAE]  }
0x2b: {  	s6 =	sld [smem:$0x3FAF]  }
0x2c: {  	s7 =	sld [smem:$0x3FB0]  }
0x2d: {  	s3 =	simm.s32 $0x108;
	s8 =	sld [smem:$0x3FB1]  }
0x2e: {  	s3 =	simm.s32 @!p0 $0x1082;
	s9 =	sld [smem:$0x3FB2]  }
0x2f: {  	lr =	sadd.s32 s0, s3;
	s0 =	sld [smem:$0x3FA9]  }
0x30: {  	s3 =	sld [smem:$0x3FAC]  }
0x31: {  	[smem:$0x3FB5] =	sst s10  }
0x32: {  	s10 =	sld [smem:$0x3FB3];
	_ =	sdelay $0x3  }
0x33: {  	p0 =	seq.s32 s10, $0x1;
	s10 =	sld [smem:$0x3FB5];
	_ =	sdelay $0x3  }
0x34: {  	[smem:$0x3FB5] =	sst s10  }
0x35: {  	s10 =	sld [smem:$0x3FB4];
	_ =	sdelay $0x3  }
0x36: {  	p1 =	seq.s32 s10, $0x1;
	s10 =	sld [smem:$0x3FB5];
	_ =	sdelay $0x3  }
0x37: {  	[smem:$0x3FB5] =	sst s10  }
0x38: {  	s10 =	sld [smem:$0x3FB6]  }
0x39: {  	_ = 	snop;
	(pc) =	sbr.ind lr, $3  }
0x3a: {  	_ = 	snop  }
0x3b: {  	_ = 	snop  }
0x3c: {  	p2 =	seq.s32 s10, $0x1;
	s10 =	sld [smem:$0x3FB5]  }
0x3d: {  	_ =	shalt  }
0x3e: {  	_ =	shalt  }
0x3f: {  	_ =	shalt  }
0x40: {  	_ =	shalt  }
0x41: {  	_ =	shalt  }
0x42: {  	_ =	shalt  }
0x43: {  	_ =	shalt  }
0x44: {  	_ =	shalt  }
0x45: {  	_ =	shalt  }
0x46: {  	_ =	shalt  }
0x47: {  	_ =	shalt  }
0x48: {  	_ =	shalt  }
0x49: {  	_ =	shalt  }
0x4a: {  	_ =	shalt  }
0x4b: {  	_ =	shalt  }
0x4c: {  	_ =	shalt  }
0x4d: {  	_ =	shalt  }
0x4e: {  	_ =	shalt  }
0x4f: {  	_ =	shalt  }
0x50: {  	_ =	shalt  }
0x51: {  	_ =	shalt  }
0x52: {  	_ =	shalt  }
0x53: {  	_ =	shalt  }
0x54: {  	_ =	shalt  }
0x55: {  	_ =	shalt  }
0x56: {  	_ =	shalt  }
0x57: {  	_ =	shalt  }
0x58: {  	_ =	shalt  }
0x59: {  	_ =	shalt  }
0x5a: {  	_ =	shalt  }
0x5b: {  	_ =	shalt  }
0x5c: {  	_ =	shalt  }
0x5d: {  	_ =	shalt  }
0x5e: {  	_ =	shalt  }
0x5f: {  	_ =	shalt  }
0x60: {  	_ =	shalt  }
0x61: {  	_ =	shalt  }
0x62: {  	_ =	shalt  }
0x63: {  	_ =	shalt  }
0x64: {  	_ =	shalt  }
0x65: {  	_ =	shalt  }
0x66: {  	_ =	shalt  }
0x67: {  	_ =	shalt  }
0x68: {  	_ =	shalt  }
0x69: {  	_ =	shalt  }
0x6a: {  	_ =	shalt  }
0x6b: {  	_ =	shalt  }
0x6c: {  	_ =	shalt  }
0x6d: {  	_ =	shalt  }
0x6e: {  	_ =	shalt  }
0x6f: {  	_ =	shalt  }
0x70: {  	_ =	shalt  }
0x71: {  	_ =	shalt  }
0x72: {  	_ =	shalt  }
0x73: {  	_ =	shalt  }
0x74: {  	_ =	shalt  }
0x75: {  	_ =	shalt  }
0x76: {  	_ =	shalt  }
0x77: {  	_ =	shalt  }
0x78: {  	_ =	shalt  }
0x79: {  	_ =	shalt  }
0x7a: {  	_ =	shalt  }
0x7b: {  	_ =	shalt  }
0x7c: {  	_ =	shalt  }
0x7d: {  	_ =	shalt  }
0x7e: {  	_ =	shalt  }
0x7f: {  	_ =	shalt  }
0x80: {  	_ =	shalt  }
0x81: {  	_ =	shalt  }
0x82: {  	_ =	shalt  }
0x83: {  	_ =	shalt  }
0x84: {  	_ =	shalt  }
0x85: {  	_ =	shalt  }
0x86: {  	_ =	shalt  }
0x87: {  	_ =	shalt  }
.Lfunc_end0:
.L_simem_size_0:
called_computation_lowered:
.L_overlay_start_0:
0x88: {  	s2 =	sld [smem:$0x3FD9]  }
0x89: {  	s3 =	sld [smem:$0x3FFE];
	_ =	sdelay $0x1  }
0x8a: {  	s1 =	srdreg.scid  }
0x8b: {  	s0 =	sand.u32 $0x1, s1  }
0x8c: {  	s17 =	sshll.u32 s0, $0xA;
	s2 =	sadd.s32 s3, s2  }
0x8d: {  	s2 =	sadd.s32 s2, s17  }
0x8e: {  	[smem:$0x3FC1] =	sst s2  }
0x8f: {  	_ = 	snop  }
0x90: {  	s2 =	sld [smem:$0x3FC9]  }
0x91: {  	s18 =	sld [smem:$0x3FD0];
	(tm) =	ssettm $0x1  }
0x92: {  	s4 =	sld [smem:$0x3FFB];
	_ =	sdelay $0x3  }
0x93: {  	_ =	strace s4  }
0x94: {  	s4 =	sld [smem:$0x3FFC];
	_ =	sdelay $0x3  }
0x95: {  	_ =	strace s4  }
0x96: {  	s4 =	sld [smem:$0x3FFD];
	_ =	sdelay $0x3  }
0x97: {  	_ =	strace s4  }
0x98: {  	_ =	strace $0x8FFFFFFF  }
0x99: {  	s19 =	sld [smem:$0x3FDB];
	_ =	sdelay $0x1  }
0x9a: {  	s5 =	simm.s32 $_scs_section_size  }
0x9b: {  	s6 =	simm.s32 $_size__tile_overlayer_lowered;
	s7 =	simm.s32 $_tile_overlayer_lowered  }
0x9c: {  	s22 =	simm.s32 $0x1BFF;
	s21 =	sshll.u32 s7, $0x1;
	s4 =	sadd.s32 s5, s19  }
0x9d: {  	s8 =	simm.s32 $0x0;
	s20 =	sshll.u32 s6, $0x1;
	s6 =	sadd.s32 s21, s4  }
0x9e: {  	[timem:s8], [sflag:s22] =	dma.local [hbm:s6], s20  }
0x9f: {  	_ =	swait.ge [sflag:s22], s20  }
0xa0: {  	s5 =	ssub.s32 $0x0, s20;
	[sflag:s22] =	ssyncset.done $0x0  }
0xa1: {  	[sflag:s22] =	ssyncadd.s32 s5;
	_ =	sdelay $0x1  }
0xa2: {  	s23 =	simm.s32 $0x1B8B  }
0xa3: {  	_ =	swait.ge [sflag:s23], $0x1  }
0xa4: {  	[sflag:s23] =	ssyncset.done $0x0  }
0xa5: {  	s25 =	simm.s32 $0x1B8E;
	s24 =	sld [smem:$0x3FFE];
	[sflag:s23] =	ssyncadd.s32 $0xFFFFFFFF  }
0xa6: {  	s26 =	simm.s32 $execute0_lowered;
	[smem:$0x3FD2] =	sst s25  }
0xa7: {  	s6 =	sshll.u32 s26, $0x1;
	_ =	strace $0x80000046;
	[dreg:$0x1] =	wrdreg $0xFFFFFFFF  }
0xa8: {  	s28 =	simm.s32 $_size_execute0_lowered;
	s4 =	sadd.s32 s4, s6;
	[dreg:$0x0] =	wrdreg $0x0  }
0xa9: {  	s6 =	sshll.u32 s28, $0x1;
	[dreg:$0x2] =	wrdreg s4  }
0xaa: {  	[dreg:$0x3] =	wrdreg s6  }
0xab: {  	[dreg:$0x4] =	wrdreg $0xC0  }
0xac: {  	_ =	task [dreg:s8], $0x5FFFF  }
0xad: {  	[dreg:$0x1] =	wrdreg $0xFFFFFFFF  }
0xae: {  	[dreg:$0x0] =	wrdreg $0x60  }
0xaf: {  	[dreg:$0x2] =	wrdreg s2  }
0xb0: {  	[dreg:$0x3] =	wrdreg s24  }
0xb1: {  	[dreg:$0x4] =	wrdreg s18  }
0xb2: {  	[dreg:$0x5] =	wrdreg $0xBD000  }
0xb3: {  	[dreg:$0x6] =	wrdreg $0x9  }
0xb4: {  	_ =	task.clear_ibuf [dreg:s8], $0x7FFFF;
	_ =	strace $0x90000046  }
0xb5: {  	s29 =	simm.s32 $0x9;
	_ =	strace $0x80000048  }
0xb6: {  	_ =	swait.ge [sflag:s29], $0x1  }
0xb7: {  	[sflag:s29] =	ssyncadd.s32 $0xFFFFFFFF  }
0xb8: {  	_ =	strace $0x90000048  }
0xb9: {  	_ =	sfence  }
0xba: {  	s30 =	sld [smem:$0x0];
	_ =	sdelay $0x2  }
0xbb: {  	s31 =	sshll.u32 s1, $0xD;
	s1 =	sshrl.u32 s1, $0x2  }
0xbc: {  	s3 =	sand.u32 $0x4000, s31;
	s1 =	sadd.s32 s1, s30  }
0xbd: {  	s0 =	sor.u32 s3, s0;
	s1 =	sshll.u32 s1, $0x11  }
0xbe: {  	s0 =	sor.u32 s1, s0  }
0xbf: {  	s0 =	sadd.s32 $0x8F2B, s0  }
0xc0: {  	[sflag:s0] =	ssyncadd.remote.s32 $0x1  }
0xc1: {  	_ =	sfence.sel $0xFFFF  }
0xc2: {  	[dreg:$0x0] =	wrdreg $0xFFFFFFFF;
	(pc) =	sbr.abs _section_cstart, $3  }
0xc3: {  	[dreg:$0x1] =	wrdreg $0xFFFFFFFF  }
0xc4: {  	_ =	task.clear_ibuf [dreg:s8], $0x2FFFF;
	_ =	strace $0x9FFFFFFF  }
0xc5: {  	(tm) =	ssettm $0x7FFFFFFF  }
tec
execute0_lowered:
.L_overlay_start_1:
0x0: {  	(tag) =	ssettag $0x1  }
0x1: {  	s1 =	rddreg [dreg:$0x0]  }
0x2: {  	s0 =	rddreg [dreg:$0x1]  }
0x3: {  	s9 =	rddreg [dreg:$0x2]  }
0x4: {  	s3 =	rddreg [dreg:$0x3]  }
0x5: {  	s4 =	simm.s32 $0x0;
	s2 =	srdreg.scid;
	s8 =	stileid.u32  }
0x6: {  	s28 =	simm.s32 $0x18;
	s29 =	simm.s32 $0x19;
	s31 =	simm.s32 $0x12  }
0x7: {  	s30 =	simm.s32 $0x8100;
	[smem:$0x7FF] =	sst s4;
	s10 =	sadd.s32 $0x1C00, s0  }
0x8: {  	s5 =	sadd.s32 $0x15600, s0;
	s2 =	sand.u32 $0x1, s2;
	s12 =	sshll.u32 s8, $0x1  }
0x9: {  	s7 =	smul.u32 $0x4E000, s8;
	s11 =	sadd.s32 $0x17E00, s0;
	p0 =	seq.s32 s8, $0xF  }
0xa: {  	p4 =	sne.s32 s8, $0xF;
	_ =	strace $0x80000047;
	[dreg:$0x6] =	wrdreg s5  }
0xb: {  	s6 =	ssub.s32 $0x2, s2;
	s5 =	sor.u32 s2, s12;
	[dreg:$0x7] =	wrdreg s11  }
0xc: {  	p2 =	seq.s32 s2, $0x0;
	[dreg:$0x5] =	wrdreg s10;
	s13 =	sshrl.u32 s6, $0x1  }
0xd: {  	s5 =	smul.u32 $0x2710, s5;
	s14 =	sshrl.u32 s7, $0x2;
	p1 =	por !p4, !p2  }
0xe: {  	p3 =	por !p2, !p0;
	p2 =	seq.s32 s2, $0x1;
	s2 =	smul.u32 $0x2710, s2  }
0xf: {  	s0 =	ssub.s32 s6, s13;
	s6 =	sadd.s32 s14, s3;
	p1 =	por !p1, !p1  }
0x10: {  	p3 =	por !p3, !p3;
	p4 =	por !p4, !p2;
	[dreg:$0x8] =	wrdreg s6  }
0x11: {  	s15 =	sadd.s32 $0x28, s5;
	s16 =	sshrl.u32 s5, $0x3;
	s17 =	sadd.s32 $0x4E228, s5  }
0x12: {  	s19 =	sadd.s32 $0x78, s5;
	s20 =	sadd.s32 $0x4E278, s5;
	s21 =	sadd.s32 $0xC8, s5  }
0x13: {  	s5 =	sadd.s32 $0x4E2C8, s5;
	p4 =	por !p4, !p4;
	s0 =	smax.u32 s0, $0x1  }
0x14: {  	s6 =	sshrl.u32 s15, $0x3;
	s12 =	sadd.s32 s10, s16;
	s18 =	sshrl.u32 s17, $0x3  }
0x15: {  	s7 =	sshrl.u32 s20, $0x3;
	s23 =	sshrl.u32 s21, $0x3;
	[dreg:$0x12] =	wrdreg s0  }
0x16: {  	s5 =	sshrl.u32 s5, $0x3;
	s6 =	sadd.s32 s10, s6;
	[dreg:$0x9] =	wrdreg s12  }
0x17: {  	s22 =	sadd.s32 s10, s7;
	s7 =	stileid.u32;
	[dreg:$0xa] =	wrdreg s6  }
0x18: {  	s5 =	sadd.s32 s10, s5;
	s6 =	sadd.s32 s10, s18;
	[dreg:$0xd] =	wrdreg s22  }
0x19: {  	s24 =	smul.u32 $0x2700, s7;
	[dreg:$0xb] =	wrdreg s6;
	s6 =	sshrl.u32 s19, $0x3  }
0x1a: {  	[dreg:$0xf] =	wrdreg s5;
	s25 =	smul.u32 $0x4E20, s7;
	s6 =	sadd.s32 s10, s6  }
0x1b: {  	p4 =	por !p4, p3;
	s26 =	sadd.s32 s9, s24;
	[dreg:$0xc] =	wrdreg s6  }
0x1c: {  	s2 =	sadd.s32 s2, s25;
	s6 =	sadd.s32 s10, s23;
	[dreg:$0x10] =	wrdreg s26  }
0x1d: {  	s8 =	sadd.s32 $0x230, s2;
	s5 =	sadd.s32 $0x4E430, s2;
	s9 =	sadd.s32 $0x258, s2  }
0x1e: {  	s14 =	sadd.s32 $0x4E458, s2;
	s15 =	sadd.s32 $0x208, s2;
	s16 =	sadd.s32 $0x4E408, s2  }
0x1f: {  	s19 =	sadd.s32 $0x1E0, s2;
	s20 =	sadd.s32 $0x4E3E0, s2;
	s21 =	sadd.s32 $0x1B8, s2  }
0x20: {  	s25 =	sadd.s32 $0x190, s2;
	s26 =	sadd.s32 $0x4E390, s2;
	[dreg:$0xe] =	wrdreg s6  }
0x21: {  	s6 =	sadd.s32 s11, s24;
	s0 =	sshrl.u32 s8, $0x3;
	s5 =	sshrl.u32 s5, $0x3  }
0x22: {  	s13 =	sshrl.u32 s9, $0x3;
	s18 =	sshrl.u32 s16, $0x3;
	s23 =	sshrl.u32 s21, $0x3  }
0x23: {  	s24 =	sadd.s32 $0x4E3B8, s2;
	s8 =	sadd.s32 $0x4E368, s2;
	s9 =	sadd.s32 $0x118, s2  }
0x24: {  	s16 =	sadd.s32 $0x140, s2;
	s21 =	sadd.s32 $0xA, s12;
	[dreg:$0x11] =	wrdreg s6  }
0x25: {  	s0 =	sadd.s32 s0, s10;
	s11 =	sadd.s32 s5, s10;
	s5 =	sshrl.u32 s15, $0x3  }
0x26: {  	s6 =	sshrl.u32 s26, $0x3;
	s15 =	sadd.s32 $0x168, s2;
	[smem:$0x7F8] =	sst s21  }
0x27: {  	s26 =	sadd.s32 $0x9C5E, s12;
	s21 =	simm.s32 $0x13;
	[dreg:$0x13] =	wrdreg s0  }
0x28: {  	[dreg:$0x14] =	wrdreg s11;
	s0 =	sadd.s32 s13, s10;
	s17 =	sadd.s32 s5, s10  }
0x29: {  	s5 =	sshrl.u32 s20, $0x3;
	s11 =	sadd.s32 $0x4E318, s2;
	[smem:$0x7F2] =	sst s15  }
0x2a: {  	s2 =	sadd.s32 $0x4E340, s2;
	s20 =	sadd.s32 $0x9C40, s12;
	[smem:$0x7FD] =	sst s26  }
0x2b: {  	s15 =	simm.s32 $0x700;
	s26 =	simm.s32 $0x10;
	[dreg:$0x15] =	wrdreg s0  }
0x2c: {  	s0 =	sshrl.u32 s14, $0x3;
	[dreg:$0x17] =	wrdreg s17;
	s22 =	sadd.s32 s5, s10  }
0x2d: {  	s5 =	sshrl.u32 s25, $0x3;
	s14 =	sshrl.u32 s11, $0x3;
	s17 =	sshrl.u32 s16, $0x3  }
0x2e: {  	s2 =	sshrl.u32 s2, $0x3;
	[smem:$0x7F7] =	sst s20;
	s25 =	sadd.s32 $0x1E, s12  }
0x2f: {  	s11 =	simm.s32 $0x280;
	s16 =	simm.s32 $0x5;
	[dreg:$0x1a] =	wrdreg s22  }
0x30: {  	s20 =	simm.s32 $0xB;
	s0 =	sadd.s32 s0, s10;
	[smem:$0x7FC] =	sst s25  }
0x31: {  	s5 =	sadd.s32 s5, s10;
	s22 =	sadd.s32 $0x9C4A, s12;
	[dreg:$0x16] =	wrdreg s0  }
0x32: {  	s25 =	simm.s32 $0x17;
	s0 =	sadd.s32 s18, s10;
	[dreg:$0x1d] =	wrdreg s5  }
0x33: {  	s5 =	sshrl.u32 s9, $0x3;
	s18 =	sadd.s32 s2, s10;
	[smem:$0x7F9] =	sst s22  }
0x34: {  	s22 =	simm.s32 $0xD;
	[dreg:$0x18] =	wrdreg s0;
	s0 =	sshrl.u32 s19, $0x3  }
0x35: {  	s13 =	sadd.s32 s5, s10;
	[smem:$0x7F5] =	sst s18;
	s19 =	sadd.s32 $0x124800, s3  }
0x36: {  	s5 =	simm.s32 $0x3;
	s18 =	simm.s32 $0x6;
	[smem:$0x7F1] =	sst s13  }
0x37: {  	s0 =	sadd.s32 s0, s10;
	[smem:$0x7F6] =	sst s19;
	s19 =	simm.s32 $0x4  }
0x38: {  	s13 =	simm.s32 $0x4500;
	[dreg:$0x19] =	wrdreg s0;
	s0 =	sadd.s32 s23, s10  }
0x39: {  	s23 =	sadd.s32 $0x14, s12;
	[dreg:$0x1b] =	wrdreg s0;
	s0 =	sshrl.u32 s24, $0x3  }
0x3a: {  	[smem:$0x7FA] =	sst s23;
	s24 =	sadd.s32 $0x9C54, s12;
	s0 =	sadd.s32 s0, s10  }
0x3b: {  	s12 =	simm.s32 $0x28;
	[dreg:$0x1c] =	wrdreg s0;
	s0 =	sadd.s32 s6, s10  }
.Ltmp0:
0x3c: {  	[dreg:$0x1e] =	wrdreg s0;
	s0 =	sshrl.u32 s8, $0x3;
	(pc) =	sbr.rel .LBB2_1-.Ltmp0, $4  }
0x3d: {  	s23 =	simm.s32 $0x15;
	[smem:$0x7FB] =	sst s24;
	s0 =	sadd.s32 s0, s10  }
0x3e: {  	s24 =	simm.s32 $0xF;
	[dreg:$0x1f] =	wrdreg s0;
	s0 =	sadd.s32 s14, s10  }
0x3f: {  	s8 =	simm.s32 $0x0;
	[smem:$0x7F3] =	sst s0;
	s0 =	sadd.s32 s17, s10  }
0x40: {  	s14 =	simm.s32 $0x7;
	s17 =	simm.s32 $0x300;
	[smem:$0x7F4] =	sst s0  }
.LBB2_6:
0x41: {  	s8 =	sadd.s32 $0x1, s8;
	s0 =	rddreg [dreg:$0x12]  }
0x42: {  	p5 =	sne.s32 s8, s0  }
.Ltmp1:
0x43: {  	_ = 	snop;
	(pc) =	sbr.rel @!p5 .LBB2_7-.Ltmp1, $2  }
0x44: {  	_ =	sdelay $0x2  }
0x45: {  	s17 =	simm.s32 $0x300  }
.LBB2_1:
0x46: {  	s0 =	sld [smem:$0x7F6];
	_ =	sdelay $0x1  }
0x47: {  	[smem:$0x7F0] =	sst s8  }
0x48: {  	s2 =	simm.s32 @p0 $0x1FDC;
	s8 =	rddreg [dreg:$0x6];
	s0 =	sshrl.u32 @p0 s0, $0x3  }
0x49: {  	[spmem:s0], [sflag:s2] =	dma.local @p0 [hbm:s8], $0x2800  }
0x4a: {  	s0 =	sshll.u32 @!p0 s7, $0x6;
	s2 =	rddreg [dreg:$0x8]  }
0x4b: {  	s0 =	sor.u32 @!p0 $0x1C1C, s0;
	s2 =	sshrl.u32 @!p0 s2, $0x3  }
0x4c: {  	[spmem:s2], [sflag:s0] =	dma.local @!p0 [hbm:s8], $0x2700  }
0x4d: {  	s0 =	rddreg [dreg:$0x9]  }
0x4e: {  	s6 =	sld [smem:$0x7F7]  }
0x4f: {  	[tilespmem:s4], [sflag:$0x1] =	stream.linear.gather [hbm4b:s0+s4], $0x28, $0x38;
	[tilespmem:$0x1F580] =	vst v63  }
0x50: {  	s7 =	simm.s32 $0x480;
	s8 =	rddreg [dreg:$0xa]  }
0x51: {  	[tilespmem:s7], [sflag:$0x1] =	stream.linear.gather [hbm4b:s6+s4], $0x28, $0x38;
	[tilespmem:$0x1F580] =	vst v63  }
0x52: {  	s2 =	simm.s32 $0x80;
	s9 =	rddreg [dreg:$0xb]  }
0x53: {  	[tilespmem:s2], [sflag:$0x2] =	stream.linear.gather [hbm4b:s8+s4], $0x28, $0x38;
	[tilespmem:$0x1F580] =	vst v63  }
0x54: {  	s10 =	simm.s32 $0x500;
	s6 =	sld [smem:$0x7F8]  }
0x55: {  	[tilespmem:s10], [sflag:$0x2] =	stream.linear.gather [hbm4b:s9+s4], $0x28, $0x38;
	[tilespmem:$0x1F580] =	vst v63  }
0x56: {  	s7 =	simm.s32 $0x100;
	s8 =	sld [smem:$0x7F9]  }
0x57: {  	[tilespmem:s7], [sflag:$0x3] =	stream.linear.gather [hbm4b:s6+s4], $0x28, $0x38;
	[tilespmem:$0x1F580] =	vst v63  }
0x58: {  	s9 =	simm.s32 $0x580;
	s10 =	rddreg [dreg:$0xc]  }
0x59: {  	[tilespmem:s9], [sflag:$0x3] =	stream.linear.gather [hbm4b:s8+s4], $0x28, $0x38;
	[tilespmem:$0x1F580] =	vst v63  }
0x5a: {  	s6 =	rddreg [dreg:$0xd];
	s8 =	simm.s32 $0x180  }
0x5b: {  	[tilespmem:s8], [sflag:$0x4] =	stream.linear.gather [hbm4b:s10+s4], $0x28, $0x38;
	[tilespmem:$0x1F580] =	vst v63  }
0x5c: {  	s9 =	simm.s32 $0x600;
	s10 =	sld [smem:$0x7FA]  }
0x5d: {  	[tilespmem:s9], [sflag:$0x4] =	stream.linear.gather [hbm4b:s6+s4], $0x28, $0x38;
	[tilespmem:$0x1F580] =	vst v63  }
0x5e: {  	s9 =	simm.s32 $0x200;
	s6 =	sld [smem:$0x7FB]  }
0x5f: {  	[tilespmem:s9], [sflag:$0x5] =	stream.linear.gather [hbm4b:s10+s4], $0x28, $0x38;
	[tilespmem:$0x1F580] =	vst v63  }
0x60: {  	s10 =	simm.s32 $0x680  }
0x61: {  	[tilespmem:s10], [sflag:$0x5] =	stream.linear.gather [hbm4b:s6+s4], $0x28, $0x38;
	[tilespmem:$0x1F580] =	vst v63  }
0x62: {  	s6 =	rddreg [dreg:$0xe]  }
0x63: {  	[tilespmem:s11], [sflag:$0x6] =	stream.linear.gather [hbm4b:s6+s4], $0x28, $0x38;
	[tilespmem:$0x1F580] =	vst v63  }
0x64: {  	s6 =	rddreg [dreg:$0xf]  }
0x65: {  	[tilespmem:s15], [sflag:$0x6] =	stream.linear.gather [hbm4b:s6+s4], $0x28, $0x38;
	[tilespmem:$0x1F580] =	vst v63  }
0x66: {  	s6 =	sld [smem:$0x7FC];
	_ =	sdelay $0x1  }
0x67: {  	s15 =	sld [smem:$0x7FD]  }
0x68: {  	[tilespmem:s17], [sflag:$0x7] =	stream.linear.gather [hbm4b:s6+s4], $0x28, $0x38;
	[tilespmem:$0x1F580] =	vst v63  }
0x69: {  	s6 =	simm.s32 $0x780  }
0x6a: {  	[tilespmem:s6], [sflag:$0x7] =	stream.linear.gather [hbm4b:s15+s4], $0x28, $0x38;
	[tilespmem:$0x1F580] =	vst v63  }
0x6b: {  	s6 =	simm.s32 $0x1  }
0x6c: {  	_ =	swait.ge [sflag:s6], $0x28  }
0x6d: {  	[sflag:s6] =	ssyncset.done $0x0  }
0x6e: {  	[sflag:s6] =	ssyncadd.s32 $0xFFFFFFD8  }
0x6f: {  	_ =	swait.ge [sflag:s6], $0x28  }
0x70: {  	[sflag:s6] =	ssyncset.done $0x0  }
0x71: {  	s15 =	simm.s32 $0x900;
	[sflag:s6] =	ssyncadd.s32 $0xFFFFFFD8;
	s6 =	simm.s32 $0x2  }
0x72: {  	[tilespmem:s15], [sflag:$0xA] =	stream.indirect.gather [hbm4b:s1+s12], $0x80, s4, s12, $0xb8;
	[tilespmem:$0x1F580] =	vst v63  }
0x73: {  	_ =	swait.ge [sflag:s6], $0x28  }
0x74: {  	[sflag:s6] =	ssyncset.done $0x0  }
0x75: {  	[sflag:s6] =	ssyncadd.s32 $0xFFFFFFD8  }
0x76: {  	_ =	swait.ge [sflag:s6], $0x28  }
0x77: {  	[sflag:s6] =	ssyncset.done $0x0  }
0x78: {  	s15 =	simm.s32 $0x1D00;
	[sflag:s6] =	ssyncadd.s32 $0xFFFFFFD8  }
0x79: {  	[tilespmem:s15], [sflag:$0xB] =	stream.indirect.gather [hbm4b:s1+s12], $0x80, s2, s12, $0xb8;
	[tilespmem:$0x1F580] =	vst v63  }
0x7a: {  	_ =	swait.ge [sflag:s5], $0x28  }
0x7b: {  	[sflag:s5] =	ssyncset.done $0x0  }
0x7c: {  	[sflag:s5] =	ssyncadd.s32 $0xFFFFFFD8  }
0x7d: {  	_ =	swait.ge [sflag:s5], $0x28  }
0x7e: {  	[sflag:s5] =	ssyncset.done $0x0  }
0x7f: {  	s6 =	simm.s32 $0x3100;
	[sflag:s5] =	ssyncadd.s32 $0xFFFFFFD8  }
0x80: {  	[tilespmem:s6], [sflag:$0xC] =	stream.indirect.gather [hbm4b:s1+s12], $0x80, s7, s12, $0xb8;
	[tilespmem:$0x1F580] =	vst v63  }
0x81: {  	_ =	swait.ge [sflag:s19], $0x28  }
0x82: {  	[sflag:s19] =	ssyncset.done $0x0  }
0x83: {  	[sflag:s19] =	ssyncadd.s32 $0xFFFFFFD8  }
0x84: {  	_ =	swait.ge [sflag:s19], $0x28  }
0x85: {  	[sflag:s19] =	ssyncset.done $0x0  }
0x86: {  	s7 =	simm.s32 $0x4500;
	[sflag:s19] =	ssyncadd.s32 $0xFFFFFFD8  }
0x87: {  	[tilespmem:s7], [sflag:$0xD] =	stream.indirect.gather [hbm4b:s1+s12], $0x80, s8, s12, $0xb8;
	[tilespmem:$0x1F580] =	vst v63  }
0x88: {  	_ =	swait.ge [sflag:s16], $0x28  }
0x89: {  	[sflag:s16] =	ssyncset.done $0x0  }
0x8a: {  	[sflag:s16] =	ssyncadd.s32 $0xFFFFFFD8  }
0x8b: {  	_ =	swait.ge [sflag:s16], $0x28  }
0x8c: {  	[sflag:s16] =	ssyncset.done $0x0  }
0x8d: {  	s0 =	simm.s32 @p0 $0x1C;
	s15 =	simm.s32 $0x5900;
	[sflag:s16] =	ssyncadd.s32 $0xFFFFFFD8  }
0x8e: {  	[tilespmem:s15], [sflag:$0xE] =	stream.indirect.gather [hbm4b:s1+s12], $0x80, s9, s12, $0xb8;
	[tilespmem:$0x1F580] =	vst v63  }
0x8f: {  	_ =	swait.ge @p0 [sflag:s0], $0x2800  }
0x90: {  	[sflag:s0] =	ssyncset.done @p0 $0x0  }
0x91: {  	[sflag:s0] =	ssyncadd.s32 @p0 $0xFFFFD800;
	s0 =	simm.s32 @!p0 $0x1C  }
0x92: {  	_ =	swait.ge @!p0 [sflag:s0], $0x2700  }
0x93: {  	[sflag:s0] =	ssyncset.done @!p0 $0x0  }
0x94: {  	[sflag:s0] =	ssyncadd.s32 @!p0 $0xFFFFD900  }
0x95: {  	[bflag:$0x0] =	sbarrier.arrive $0xFFFF  }
0x96: {  	s10 =	simm.s32 $0x8100;
	s2 =	simm.s32 $0x0;
	s0 =	sld [smem:$0x7F2]  }
.LBB2_2:
0x97: {  	p5 =	seq.s32 s2, $0x0  }
0x98: {  	s7 =	simm.s32 @!p5 $0x1A  }
0x99: {  	p6 =	seq.s32 @!p5 s2, $0x4BF;
	_ =	swait.ge @!p5 [sflag:s7], $0x1400  }
0x9a: {  	p6 =	por p5, !p6;
	[sflag:s7] =	ssyncset.done @!p5 $0x0  }
0x9b: {  	[sflag:s7] =	ssyncadd.s32 @!p5 $0xFFFFEC00;
	s7 =	sld @p6 [smem:$0x7F1];
	_ =	sdelay $0x2  }
0x9c: {  	s6 =	simm.s32 @p6 $0x380;
	s7 =	sadd.s32 @p6 s2, s7  }
0x9d: {  	[tilespmem:s6], [sflag:$0x8] =	stream.linear.gather @p6 [hbm4b:s7+s4], $0x28, $0x38;
	[tilespmem:$0x1F580] =	vst v63  }
0x9e: {  	s7 =	sld @p6 [smem:$0x7F3];
	_ =	sdelay $0x2  }
0x9f: {  	s6 =	simm.s32 @p6 $0x800;
	s7 =	sadd.s32 @p6 s2, s7  }
0xa0: {  	[tilespmem:s6], [sflag:$0x8] =	stream.linear.gather @p6 [hbm4b:s7+s4], $0x28, $0x38;
	[tilespmem:$0x1F580] =	vst v63  }
0xa1: {  	_ =	swait.ge [sflag:s18], $0x28  }
0xa2: {  	[sflag:s18] =	ssyncset.done $0x0  }
0xa3: {  	[sflag:s18] =	ssyncadd.s32 $0xFFFFFFD8  }
0xa4: {  	_ =	swait.ge [sflag:s18], $0x28  }
0xa5: {  	[sflag:s18] =	ssyncset.done $0x0  }
0xa6: {  	s9 =	simm.s32 $0x6D00;
	s15 =	simm.s32 $0xA;
	[sflag:s18] =	ssyncadd.s32 $0xFFFFFFD8  }
0xa7: {  	[tilespmem:s9], [sflag:$0xF] =	stream.indirect.gather [hbm4b:s1+s12], $0x80, s11, s12, $0xb8;
	[tilespmem:$0x1F580] =	vst v63  }
0xa8: {  	_ =	swait.ge [sflag:s15], $0x1400  }
0xa9: {  	s8 =	simm.s32 $0x900;
	[sflag:s15] =	ssyncset.done $0x0  }
0xaa: {  	s6 =	simm.s32 $0x480;
	s7 =	simm.s32 @!p5 $0x1B;
	[sflag:s15] =	ssyncadd.s32 $0xFFFFEC00  }
0xab: {  	[spmem:s3] =	stream.indirect.scatter.add.f32 [tilespmem:s8], [sflag:$0x13], $0x80, s6, s12, $0xb8;
	[tilespmem:$0x1F580] =	vst v63  }
0xac: {  	_ =	swait.ge @!p5 [sflag:s7], $0x1400  }
0xad: {  	[sflag:s7] =	ssyncset.done @!p5 $0x0  }
0xae: {  	[sflag:s7] =	ssyncadd.s32 @!p5 $0xFFFFEC00;
	s7 =	sld @p6 [smem:$0x7F4];
	_ =	sdelay $0x2  }
0xaf: {  	s6 =	simm.s32 @p6 $0x400;
	s7 =	sadd.s32 @p6 s2, s7  }
0xb0: {  	[tilespmem:s6], [sflag:$0x9] =	stream.linear.gather @p6 [hbm4b:s7+s4], $0x28, $0x38;
	[tilespmem:$0x1F580] =	vst v63  }
0xb1: {  	s7 =	sld @p6 [smem:$0x7F5];
	_ =	sdelay $0x2  }
0xb2: {  	s6 =	simm.s32 @p6 $0x880;
	s7 =	sadd.s32 @p6 s2, s7  }
0xb3: {  	[tilespmem:s6], [sflag:$0x9] =	stream.linear.gather @p6 [hbm4b:s7+s4], $0x28, $0x38;
	[tilespmem:$0x1F580] =	vst v63  }
0xb4: {  	_ =	swait.ge [sflag:s14], $0x28  }
0xb5: {  	[sflag:s14] =	ssyncset.done $0x0  }
0xb6: {  	[sflag:s14] =	ssyncadd.s32 $0xFFFFFFD8  }
0xb7: {  	_ =	swait.ge [sflag:s14], $0x28  }
0xb8: {  	[sflag:s14] =	ssyncset.done $0x0  }
0xb9: {  	[sflag:s14] =	ssyncadd.s32 $0xFFFFFFD8  }
0xba: {  	[tilespmem:s10], [sflag:$0x10] =	stream.indirect.gather [hbm4b:s1+s12], $0x80, s17, s12, $0xb8;
	[tilespmem:$0x1F580] =	vst v63  }
0xbb: {  	_ =	swait.ge [sflag:s20], $0x1400  }
0xbc: {  	[sflag:s20] =	ssyncset.done $0x0  }
0xbd: {  	s9 =	simm.s32 $0x500;
	s10 =	simm.s32 $0x1D00;
	[sflag:s20] =	ssyncadd.s32 $0xFFFFEC00  }
0xbe: {  	[spmem:s3] =	stream.indirect.scatter.add.f32 [tilespmem:s10], [sflag:$0x14], $0x80, s9, s12, $0xb8;
	[tilespmem:$0x1F580] =	vst v63  }
0xbf: {  	_ =	swait.ge [sflag:s21], $0x1400  }
0xc0: {  	p5 =	seq.s32 s2, $0x4BF;
	[sflag:s21] =	ssyncset.done $0x0  }
0xc1: {  	s7 =	simm.s32 @p5 $0xC;
	[sflag:s21] =	ssyncadd.s32 $0xFFFFEC00  }
0xc2: {  	_ =	swait.ge @p5 [sflag:s7], $0x1400  }
0xc3: {  	s15 =	simm.s32 @p5 $0x3100;
	[sflag:s7] =	ssyncset.done @p5 $0x0  }
0xc4: {  	s9 =	simm.s32 @p5 $0x28;
	[sflag:s7] =	ssyncadd.s32 @p5 $0xFFFFEC00;
	s7 =	simm.s32 @p5 $0x580  }
0xc5: {  	[spmem:s3] =	stream.indirect.scatter.add.f32 @p5 [tilespmem:s15], [sflag:$0x15], $0x80, s7, s9, $0xb8;
	[tilespmem:$0x1F580] =	vst v63  }
0xc6: {  	s7 =	simm.s32 @p5 $0x14  }
0xc7: {  	_ =	swait.ge @p5 [sflag:s7], $0x1400  }
0xc8: {  	[sflag:s7] =	ssyncset.done @p5 $0x0  }
0xc9: {  	s15 =	sshrl.u32 @!p5 s0, $0x3;
	[sflag:s7] =	ssyncadd.s32 @p5 $0xFFFFEC00;
	s7 =	rddreg [dreg:$0x5]  }
0xca: {  	s17 =	simm.s32 @!p5 $0x0;
	s7 =	sadd.s32 @!p5 s7, s15  }
0xcb: {  	[tilespmem:s17], [sflag:$0x1] =	stream.linear.gather @!p5 [hbm4b:s7+s17], $0x28, $0x38;
	[tilespmem:$0x1F580] =	vst v63  }
0xcc: {  	s7 =	rddreg [dreg:$0x1f]  }
0xcd: {  	s15 =	simm.s32 @!p5 $0x480;
	s7 =	sadd.s32 @!p5 s2, s7  }
0xce: {  	[tilespmem:s15], [sflag:$0x1] =	stream.linear.gather @!p5 [hbm4b:s7+s17], $0x28, $0x38;
	[tilespmem:$0x1F580] =	vst v63  }
0xcf: {  	s7 =	simm.s32 @!p5 $0x8  }
0xd0: {  	_ =	swait.ge @!p5 [sflag:s7], $0x28  }
0xd1: {  	[sflag:s7] =	ssyncset.done @!p5 $0x0  }
0xd2: {  	[sflag:s7] =	ssyncadd.s32 @!p5 $0xFFFFFFD8  }
0xd3: {  	_ =	swait.ge @!p5 [sflag:s7], $0x28  }
0xd4: {  	s8 =	simm.s32 @!p5 $0x9500;
	[sflag:s7] =	ssyncset.done @!p5 $0x0  }
0xd5: {  	s15 =	simm.s32 @!p5 $0x28;
	[sflag:s7] =	ssyncadd.s32 @!p5 $0xFFFFFFD8;
	s7 =	simm.s32 @!p5 $0x380  }
0xd6: {  	[tilespmem:s8], [sflag:$0x11] =	stream.indirect.gather @!p5 [hbm4b:s1+s15], $0x80, s7, s15, $0xb8;
	[tilespmem:$0x1F580] =	vst v63  }
0xd7: {  	s7 =	simm.s32 @!p5 $0xC  }
0xd8: {  	_ =	swait.ge @!p5 [sflag:s7], $0x1400  }
0xd9: {  	[sflag:s7] =	ssyncset.done @!p5 $0x0  }
0xda: {  	s8 =	simm.s32 @!p5 $0x580;
	[sflag:s7] =	ssyncadd.s32 @!p5 $0xFFFFEC00;
	s7 =	simm.s32 @!p5 $0x3100  }
0xdb: {  	[spmem:s3] =	stream.indirect.scatter.add.f32 @!p5 [tilespmem:s7], [sflag:$0x15], $0x80, s8, s15, $0xb8;
	[tilespmem:$0x1F580] =	vst v63  }
0xdc: {  	s7 =	simm.s32 @!p5 $0x14  }
0xdd: {  	_ =	swait.ge @!p5 [sflag:s7], $0x1400  }
0xde: {  	[sflag:s7] =	ssyncset.done @!p5 $0x0  }
0xdf: {  	[sflag:s7] =	ssyncadd.s32 @!p5 $0xFFFFEC00;
	s7 =	rddreg [dreg:$0x1d]  }
0xe0: {  	s10 =	rddreg [dreg:$0x1e];
	s11 =	sadd.s32 @!p5 s2, s7;
	s7 =	simm.s32 @!p5 $0x80  }
0xe1: {  	[tilespmem:s7], [sflag:$0x2] =	stream.linear.gather @!p5 [hbm4b:s11+s17], $0x28, $0x38;
	[tilespmem:$0x1F580] =	vst v63  }
0xe2: {  	s11 =	sadd.s32 @!p5 s2, s10;
	s10 =	simm.s32 @!p5 $0x500  }
0xe3: {  	[tilespmem:s10], [sflag:$0x2] =	stream.linear.gather @!p5 [hbm4b:s11+s17], $0x28, $0x38;
	[tilespmem:$0x1F580] =	vst v63  }
0xe4: {  	s10 =	simm.s32 @!p5 $0x9  }
0xe5: {  	_ =	swait.ge @!p5 [sflag:s10], $0x28  }
0xe6: {  	[sflag:s10] =	ssyncset.done @!p5 $0x0  }
0xe7: {  	[sflag:s10] =	ssyncadd.s32 @!p5 $0xFFFFFFD8  }
0xe8: {  	_ =	swait.ge @!p5 [sflag:s10], $0x28  }
0xe9: {  	[sflag:s10] =	ssyncset.done @!p5 $0x0  }
0xea: {  	s11 =	simm.s32 @!p5 $0xA900;
	[sflag:s10] =	ssyncadd.s32 @!p5 $0xFFFFFFD8;
	s10 =	simm.s32 @!p5 $0x400  }
0xeb: {  	[tilespmem:s11], [sflag:$0x12] =	stream.indirect.gather @!p5 [hbm4b:s1+s15], $0x80, s10, s15, $0xb8;
	[tilespmem:$0x1F580] =	vst v63  }
0xec: {  	_ =	swait.ge [sflag:s22], $0x1400  }
0xed: {  	[sflag:s22] =	ssyncset.done $0x0  }
0xee: {  	s11 =	simm.s32 $0x600;
	[sflag:s22] =	ssyncadd.s32 $0xFFFFEC00  }
0xef: {  	[spmem:s3] =	stream.indirect.scatter.add.f32 [tilespmem:s13], [sflag:$0x16], $0x80, s11, s12, $0xb8;
	[tilespmem:$0x1F580] =	vst v63  }
0xf0: {  	_ =	swait.ge [sflag:s23], $0x1400  }
0xf1: {  	[sflag:s23] =	ssyncset.done $0x0  }
0xf2: {  	s10 =	simm.s32 @p5 $0xE;
	[sflag:s23] =	ssyncadd.s32 $0xFFFFEC00  }
0xf3: {  	_ =	swait.ge @p5 [sflag:s10], $0x1400  }
0xf4: {  	[sflag:s10] =	ssyncset.done @p5 $0x0  }
0xf5: {  	s11 =	simm.s32 @p5 $0x5900;
	[sflag:s10] =	ssyncadd.s32 @p5 $0xFFFFEC00;
	s10 =	simm.s32 @p5 $0x680  }
0xf6: {  	[spmem:s3] =	stream.indirect.scatter.add.f32 @p5 [tilespmem:s11], [sflag:$0x17], $0x80, s10, s9, $0xb8;
	[tilespmem:$0x1F580] =	vst v63  }
0xf7: {  	s9 =	simm.s32 @p5 $0x16  }
0xf8: {  	_ =	swait.ge @p5 [sflag:s9], $0x1400  }
0xf9: {  	[sflag:s9] =	ssyncset.done @p5 $0x0  }
0xfa: {  	[sflag:s9] =	ssyncadd.s32 @p5 $0xFFFFEC00;
	s9 =	rddreg [dreg:$0x1b]  }
0xfb: {  	s10 =	simm.s32 @!p5 $0x100;
	s9 =	sadd.s32 @!p5 s2, s9  }
0xfc: {  	[tilespmem:s10], [sflag:$0x3] =	stream.linear.gather @!p5 [hbm4b:s9+s17], $0x28, $0x38;
	[tilespmem:$0x1F580] =	vst v63  }
0xfd: {  	s9 =	rddreg [dreg:$0x1c]  }
0xfe: {  	s9 =	sadd.s32 @!p5 s2, s9  }
0xff: {  	[tilespmem:s8], [sflag:$0x3] =	stream.linear.gather @!p5 [hbm4b:s9+s17], $0x28, $0x38;
	[tilespmem:$0x1F580] =	vst v63  }
0x100: {  	s8 =	simm.s32 @!p5 $0x1  }
0x101: {  	_ =	swait.ge @!p5 [sflag:s8], $0x28  }
0x102: {  	[sflag:s8] =	ssyncset.done @!p5 $0x0  }
0x103: {  	[sflag:s8] =	ssyncadd.s32 @!p5 $0xFFFFFFD8  }
0x104: {  	_ =	swait.ge @!p5 [sflag:s8], $0x28  }
0x105: {  	[sflag:s8] =	ssyncset.done @!p5 $0x0  }
0x106: {  	[sflag:s8] =	ssyncadd.s32 @!p5 $0xFFFFFFD8;
	s8 =	simm.s32 @!p5 $0x900  }
0x107: {  	[tilespmem:s8], [sflag:$0xA] =	stream.indirect.gather @!p5 [hbm4b:s1+s15], $0x80, s17, s15, $0xb8;
	[tilespmem:$0x1F580] =	vst v63  }
0x108: {  	s8 =	simm.s32 @!p5 $0xE  }
0x109: {  	_ =	swait.ge @!p5 [sflag:s8], $0x1400  }
0x10a: {  	[sflag:s8] =	ssyncset.done @!p5 $0x0  }
0x10b: {  	s9 =	simm.s32 @!p5 $0x5900;
	[sflag:s8] =	ssyncadd.s32 @!p5 $0xFFFFEC00;
	s8 =	simm.s32 @!p5 $0x680  }
0x10c: {  	[spmem:s3] =	stream.indirect.scatter.add.f32 @!p5 [tilespmem:s9], [sflag:$0x17], $0x80, s8, s15, $0xb8;
	[tilespmem:$0x1F580] =	vst v63  }
0x10d: {  	s8 =	simm.s32 @!p5 $0x16  }
0x10e: {  	_ =	swait.ge @!p5 [sflag:s8], $0x1400  }
0x10f: {  	[sflag:s8] =	ssyncset.done @!p5 $0x0  }
0x110: {  	[sflag:s8] =	ssyncadd.s32 @!p5 $0xFFFFEC00;
	s8 =	rddreg [dreg:$0x19]  }
0x111: {  	s9 =	simm.s32 @!p5 $0x180;
	s8 =	sadd.s32 @!p5 s2, s8  }
0x112: {  	[tilespmem:s9], [sflag:$0x4] =	stream.linear.gather @!p5 [hbm4b:s8+s17], $0x28, $0x38;
	[tilespmem:$0x1F580] =	vst v63  }
0x113: {  	s8 =	rddreg [dreg:$0x1a]  }
0x114: {  	s9 =	simm.s32 @!p5 $0x600;
	s8 =	sadd.s32 @!p5 s2, s8  }
0x115: {  	[tilespmem:s9], [sflag:$0x4] =	stream.linear.gather @!p5 [hbm4b:s8+s17], $0x28, $0x38;
	[tilespmem:$0x1F580] =	vst v63  }
0x116: {  	s8 =	simm.s32 @!p5 $0x2  }
0x117: {  	_ =	swait.ge @!p5 [sflag:s8], $0x28  }
0x118: {  	[sflag:s8] =	ssyncset.done @!p5 $0x0  }
0x119: {  	[sflag:s8] =	ssyncadd.s32 @!p5 $0xFFFFFFD8  }
0x11a: {  	_ =	swait.ge @!p5 [sflag:s8], $0x28  }
0x11b: {  	[sflag:s8] =	ssyncset.done @!p5 $0x0  }
0x11c: {  	[sflag:s8] =	ssyncadd.s32 @!p5 $0xFFFFFFD8;
	s8 =	simm.s32 @!p5 $0x1D00  }
0x11d: {  	[tilespmem:s8], [sflag:$0xB] =	stream.indirect.gather @!p5 [hbm4b:s1+s15], $0x80, s7, s15, $0xb8;
	[tilespmem:$0x1F580] =	vst v63  }
0x11e: {  	_ =	swait.ge [sflag:s24], $0x1400  }
0x11f: {  	s17 =	simm.s32 $0x6D00;
	[sflag:s24] =	ssyncset.done $0x0  }
.Ltmp2:
0x120: {  	s15 =	simm.s32 $0x700;
	[sflag:s24] =	ssyncadd.s32 $0xFFFFEC00;
	(pc) =	sbr.rel @p5 .LBB2_4-.Ltmp2, $4  }
0x121: {  	[spmem:s3] =	stream.indirect.scatter.add.f32 [tilespmem:s17], [sflag:$0x18], $0x80, s15, s12, $0xb8;
	[tilespmem:$0x1F580] =	vst v63  }
0x122: {  	_ =	swait.ge [sflag:s25], $0x1400  }
0x123: {  	[sflag:s25] =	ssyncset.done $0x0  }
0x124: {  	s6 =	simm.s32 $0x300;
	[sflag:s25] =	ssyncadd.s32 $0xFFFFEC00  }
0x125: {  	s7 =	rddreg [dreg:$0x17]  }
0x126: {  	s8 =	simm.s32 $0x200;
	s9 =	rddreg [dreg:$0x18];
	s7 =	sadd.s32 s2, s7  }
0x127: {  	[tilespmem:s8], [sflag:$0x5] =	stream.linear.gather [hbm4b:s7+s4], $0x28, $0x38;
	[tilespmem:$0x1F580] =	vst v63  }
0x128: {  	s7 =	sadd.s32 s2, s9;
	s9 =	simm.s32 $0x680  }
0x129: {  	[tilespmem:s9], [sflag:$0x5] =	stream.linear.gather [hbm4b:s7+s4], $0x28, $0x38;
	[tilespmem:$0x1F580] =	vst v63  }
0x12a: {  	_ =	swait.ge [sflag:s5], $0x28  }
0x12b: {  	[sflag:s5] =	ssyncset.done $0x0  }
0x12c: {  	[sflag:s5] =	ssyncadd.s32 $0xFFFFFFD8  }
0x12d: {  	_ =	swait.ge [sflag:s5], $0x28  }
0x12e: {  	[sflag:s5] =	ssyncset.done $0x0  }
0x12f: {  	s10 =	simm.s32 $0x100;
	s11 =	simm.s32 $0x3100;
	[sflag:s5] =	ssyncadd.s32 $0xFFFFFFD8  }
0x130: {  	[tilespmem:s11], [sflag:$0xC] =	stream.indirect.gather [hbm4b:s1+s12], $0x80, s10, s12, $0xb8;
	[tilespmem:$0x1F580] =	vst v63  }
0x131: {  	_ =	swait.ge [sflag:s26], $0x1400  }
0x132: {  	[sflag:s26] =	ssyncset.done $0x0  }
0x133: {  	s9 =	simm.s32 $0x780;
	[sflag:s26] =	ssyncadd.s32 $0xFFFFEC00  }
0x134: {  	[spmem:s3] =	stream.indirect.scatter.add.f32 [tilespmem:s30], [sflag:$0x19], $0x80, s9, s12, $0xb8;
	[tilespmem:$0x1F580] =	vst v63  }
0x135: {  	_ =	swait.ge [sflag:s28], $0x1400  }
0x136: {  	s11 =	simm.s32 $0x280;
	[sflag:s28] =	ssyncset.done $0x0;
	s17 =	rddreg [dreg:$0x13]  }
0x137: {  	s10 =	rddreg [dreg:$0x14];
	[sflag:s28] =	ssyncadd.s32 $0xFFFFEC00;
	s7 =	sadd.s32 s2, s17  }
0x138: {  	[tilespmem:s11], [sflag:$0x6] =	stream.linear.gather [hbm4b:s7+s4], $0x28, $0x38;
	[tilespmem:$0x1F580] =	vst v63  }
0x139: {  	s7 =	sadd.s32 s2, s10  }
0x13a: {  	[tilespmem:s15], [sflag:$0x6] =	stream.linear.gather [hbm4b:s7+s4], $0x28, $0x38;
	[tilespmem:$0x1F580] =	vst v63  }
0x13b: {  	_ =	swait.ge [sflag:s19], $0x28  }
0x13c: {  	[sflag:s19] =	ssyncset.done $0x0  }
0x13d: {  	[sflag:s19] =	ssyncadd.s32 $0xFFFFFFD8  }
0x13e: {  	_ =	swait.ge [sflag:s19], $0x28  }
0x13f: {  	[sflag:s19] =	ssyncset.done $0x0  }
0x140: {  	s17 =	simm.s32 $0x180;
	s10 =	simm.s32 $0x11;
	[sflag:s19] =	ssyncadd.s32 $0xFFFFFFD8  }
0x141: {  	[tilespmem:s13], [sflag:$0xD] =	stream.indirect.gather [hbm4b:s1+s12], $0x80, s17, s12, $0xb8;
	[tilespmem:$0x1F580] =	vst v63  }
0x142: {  	_ =	swait.ge [sflag:s10], $0x1400  }
0x143: {  	[sflag:s10] =	ssyncset.done $0x0  }
0x144: {  	s15 =	simm.s32 $0x800;
	[sflag:s10] =	ssyncadd.s32 $0xFFFFEC00;
	s10 =	simm.s32 $0x9500  }
0x145: {  	[spmem:s3] =	stream.indirect.scatter.add.f32 [tilespmem:s10], [sflag:$0x1A], $0x80, s15, s12, $0xb8;
	[tilespmem:$0x1F580] =	vst v63  }
0x146: {  	_ =	swait.ge [sflag:s29], $0x1400  }
0x147: {  	[sflag:s29] =	ssyncset.done $0x0;
	s17 =	rddreg [dreg:$0x15]  }
0x148: {  	[sflag:s29] =	ssyncadd.s32 $0xFFFFEC00;
	s7 =	sadd.s32 s2, s17  }
0x149: {  	[tilespmem:s6], [sflag:$0x7] =	stream.linear.gather [hbm4b:s7+s4], $0x28, $0x38;
	[tilespmem:$0x1F580] =	vst v63  }
0x14a: {  	s6 =	rddreg [dreg:$0x16]  }
0x14b: {  	s7 =	sadd.s32 s2, s6  }
0x14c: {  	[tilespmem:s9], [sflag:$0x7] =	stream.linear.gather [hbm4b:s7+s4], $0x28, $0x38;
	[tilespmem:$0x1F580] =	vst v63  }
0x14d: {  	_ =	swait.ge [sflag:s16], $0x28  }
0x14e: {  	[sflag:s16] =	ssyncset.done $0x0  }
0x14f: {  	[sflag:s16] =	ssyncadd.s32 $0xFFFFFFD8  }
0x150: {  	_ =	swait.ge [sflag:s16], $0x28  }
0x151: {  	[sflag:s16] =	ssyncset.done $0x0  }
0x152: {  	s10 =	simm.s32 $0x5900;
	[sflag:s16] =	ssyncadd.s32 $0xFFFFFFD8  }
0x153: {  	[tilespmem:s10], [sflag:$0xE] =	stream.indirect.gather [hbm4b:s1+s12], $0x80, s8, s12, $0xb8;
	[tilespmem:$0x1F580] =	vst v63  }
.Ltmp3:
0x154: {  	_ =	swait.ge [sflag:s31], $0x1400;
	(pc) =	sbr.rel .LBB2_2-.Ltmp3, $4  }
0x155: {  	s0 =	sadd.s32 $0x168, s0;
	[sflag:s31] =	ssyncset.done $0x0  }
0x156: {  	s15 =	simm.s32 $0x880;
	s17 =	simm.s32 $0xA900;
	[sflag:s31] =	ssyncadd.s32 $0xFFFFEC00  }
0x157: {  	[spmem:s3] =	stream.indirect.scatter.add.f32 [tilespmem:s17], [sflag:$0x1B], $0x80, s15, s12, $0xb8;
	[tilespmem:$0x1F580] =	vst v63  }
0x158: {  	s2 =	sadd.s32 $0x2D, s2;
	s10 =	simm.s32 $0x8100;
	s17 =	simm.s32 $0x300  }
.LBB2_4:
0x159: {  	_ =	swait.ge [sflag:s26], $0x1400  }
0x15a: {  	[sflag:s26] =	ssyncset.done $0x0  }
0x15b: {  	s0 =	simm.s32 $0x780;
	[sflag:s26] =	ssyncadd.s32 $0xFFFFEC00  }
0x15c: {  	[spmem:s3] =	stream.indirect.scatter.add.f32 [tilespmem:s30], [sflag:$0x19], $0x80, s0, s12, $0xb8;
	[tilespmem:$0x1F580] =	vst v63  }
0x15d: {  	_ =	swait.ge [sflag:s28], $0x1400  }
0x15e: {  	[sflag:s28] =	ssyncset.done $0x0  }
0x15f: {  	[sflag:s28] =	ssyncadd.s32 $0xFFFFEC00  }
0x160: {  	_ =	swait.ge [sflag:s29], $0x1400  }
0x161: {  	[sflag:s29] =	ssyncset.done $0x0  }
0x162: {  	[sflag:s29] =	ssyncadd.s32 $0xFFFFEC00  }
0x163: {  	s7 =	stileid.u32;
	p5 =	por @!p4 $0x1, $0x1;
	[bflag:$0x0] =	sbarrier.arrive $0xFFFF  }
0x164: {  	p6 =	por p2, p2;
	s0 =	sshll.u32 @p1 s7, $0x6;
	s8 =	rddreg [dreg:$0x8]  }
0x165: {  	s0 =	sor.u32 @p1 $0x1C1D, s0;
	s9 =	rddreg [dreg:$0x10];
	s2 =	sshrl.u32 @p1 s8, $0x3  }
0x166: {  	[hbm:s9], [sflag:s0] =	dma.local @p1 [spmem:s2], $0x2700  }
0x167: {  	p6 =	por @!p4 p5, p5;
	s0 =	simm.s32 @p1 $0x1D  }
0x168: {  	p5 =	por @!p3 !p6, !p0;
	_ =	swait.ge @p1 [sflag:s0], $0x2700  }
0x169: {  	p5 =	por @!p3 !p5, !p5;
	[sflag:s0] =	ssyncset.done @p1 $0x0  }
0x16a: {  	p5 =	por p3, p5;
	s2 =	sshll.u32 @!p4 s7, $0x6;
	[sflag:s0] =	ssyncadd.s32 @p1 $0xFFFFD900  }
0x16b: {  	s0 =	sor.u32 @!p4 $0x1C1D, s2;
	s2 =	sshrl.u32 @!p4 s8, $0x3;
	s8 =	rddreg [dreg:$0x11]  }
0x16c: {  	[hbm:s8], [sflag:s0] =	dma.local @!p4 [spmem:s2], $0x2700  }
.Ltmp4:
0x16d: {  	s0 =	simm.s32 @!p4 $0x1D;
	(pc) =	sbr.rel @!p5 .LBB2_6-.Ltmp4, $4  }
0x16e: {  	_ =	swait.ge @!p4 [sflag:s0], $0x2700  }
0x16f: {  	s8 =	sld [smem:$0x7F0]  }
0x170: {  	[sflag:s0] =	ssyncset.done @!p4 $0x0  }
0x171: {  	s11 =	simm.s32 $0x280;
	[sflag:s0] =	ssyncadd.s32 @!p4 $0xFFFFD900  }
0x172: {  	s0 =	rddreg [dreg:$0x7]  }
0x173: {  	s10 =	sld [smem:$0x7F6]  }
0x174: {  	s2 =	rddreg [dreg:$0x2]  }
0x175: {  	s6 =	simm.s32 $0x1FDD;
	s17 =	simm.s32 $0x1D;
	s0 =	smov.u32 @p3 s2  }
.Ltmp5:
0x176: {  	s0 =	sadd.s32 $0x24900, s0;
	s2 =	sshrl.u32 s10, $0x3;
	(pc) =	sbr.rel .LBB2_6-.Ltmp5, $4  }
0x177: {  	[hbm:s0], [sflag:s6] =	dma.local [spmem:s2], $0x2800  }
0x178: {  	_ =	swait.ge [sflag:s17], $0x2800  }
0x179: {  	[sflag:s17] =	ssyncset.done $0x0  }
0x17a: {  	[sflag:s17] =	ssyncadd.s32 $0xFFFFD800  }
.LBB2_7:
0x17b: {  	_ =	sfence.sel $0x180000  }
0x17c: {  	[bflag:$0x0] =	sbarrier.arrive $0xFFFF  }
0x17d: {  	_ =	strace $0x90000047  }
0x17e: {  	[bflag:$0x2] =	sbarrier.arrive $0xFFFF  }
0x17f: {  	p0 =	sne.s32 s7, $0x0;
	s0 =	rddreg [dreg:$0x4]  }
0x180: {  	s0 =	sadd.s32 @!p0 $0x100000, s0  }
0x181: {  	[sflag:s0] =	ssyncadd.tile.s32 @!p0 $0x1;
	_ =	shalt  }
.Lfunc_end2:
_tile_overlayer_lowered:
.L_overlay_start_2:
0x182: {  	(tag) =	ssettag $0x2  }
0x183: {  	s0 =	rddreg [dreg:$0x0];
	s2 =	stileid.u32  }
0x184: {  	s1 =	rddreg [dreg:$0x1];
	p0 =	sne.s32 s2, $0x0  }
0x185: {  	s3 =	rddreg [dreg:$0x2];
	[bflag:$0x3] =	sbarrier.arrive $0xFFFF;
	s2 =	simm.s32 @!p0 $0x1C1D  }
0x186: {  	[timem:s3], [sflag:s2] =	dma.local @!p0 [hbm:s0], s1  }
0x187: {  	s0 =	simm.s32 @!p0 $0x1D  }
0x188: {  	_ =	swait.ge @!p0 [sflag:s0], s1  }
0x189: {  	s1 =	ssub.s32 @!p0 $0x0, s1;
	[sflag:s0] =	ssyncset.done @!p0 $0x0  }
0x18a: {  	[sflag:s0] =	ssyncadd.s32 @!p0 s1  }
0x18b: {  	[bflag:$0x3] =	sbarrier.arrive $0xFFFF  }
0x18c: {  	_ =	shalt  }

</sc_bundles>
